<compile_context>
chip_gen: v7x
topology: tpu7x:2x2x1
jax: 0.10.2.dev20260603
libtpu: 0.0.44.dev20260713+nightly
codegen_flags: <defaults>
</compile_context>

<pallas_src>
import functools

import jax
import jax.numpy as jnp
from jax import lax
from jax.experimental import pallas as pl
from jax.experimental.pallas import tpu as pltpu
from jax.experimental.pallas import tpu_sc as plsc

_NC, _NS, _L = 2, 16, 16
_NW = _NC * _NS
_B = 16384
_ROWS_PER_W = _B // _NW
_NCOMBO = 216
_NGRP = 16
_NCHUNK = 2
_CHUNK = _ROWS_PER_W // _NCHUNK

_TAKE_DNUMS = lax.GatherDimensionNumbers(
    offset_dims=(), collapsed_slice_dims=(0,), start_index_map=(0,))


def _take(vec, idx):
    return lax.gather(vec, idx[:, None], _TAKE_DNUMS, (1,),
                      mode=lax.GatherScatterMode.PROMISE_IN_BOUNDS)


@functools.partial(
    pl.kernel,
    mesh=plsc.VectorSubcoreMesh(core_axis_name="c", subcore_axis_name="s"),
    compiler_params=pltpu.CompilerParams(needs_layout_passes=False),
    out_type=jax.ShapeDtypeStruct((_NW * _L,), jnp.float32),
    scratch_types=[
        pltpu.VMEM((_ROWS_PER_W, 3), jnp.int32),
        pltpu.VMEM((_L,), jnp.int32),
        pltpu.VMEM((6, 10), jnp.float32),
        pltpu.VMEM((_NGRP * _L,), jnp.float32),
        pltpu.VMEM_SHARED((_NGRP * _L,), jnp.float32),
        pltpu.VMEM((_L,), jnp.float32),
        pltpu.SemaphoreType.DMA,
        pltpu.SemaphoreType.DMA,
        pltpu.SemaphoreType.DMA,
        pltpu.SemaphoreType.DMA,
        pltpu.SemaphoreType.DMA,
    ],
)
def _sc_loss(x_hbm, tbl_hbm, out_hbm, xbuf, czbuf, tbl, gbuf, gshared, accbuf,
             sem0, sem1, sem2, sem3, tsem):
    wid = lax.axis_index("s") * _NC + lax.axis_index("c")
    base = wid * _ROWS_PER_W
    xdmas = [
        pltpu.async_copy(
            x_hbm.at[pl.ds(base + k * _CHUNK, _CHUNK)],
            xbuf.at[pl.ds(k * _CHUNK, _CHUNK)], s)
        for k, s in enumerate((sem0, sem1, sem2, sem3)[:_NCHUNK])
    ]
    tdma = pltpu.async_copy(tbl_hbm, tbl, tsem)

    lanes = lax.iota(jnp.int32, _L)
    czbuf[...] = lanes * 0
    col0 = czbuf[...]

    vclamp = jnp.minimum(lanes, 5)
    tdma.wait()
    rows = [plsc.load_gather(tbl, [vclamp, col0 + d]) for d in range(10)]

    sid = lax.axis_index("s")
    c = jnp.minimum(lanes + sid * _L, _NCOMBO - 1)
    ch = c // 36
    rem = c - ch * 36
    cr = rem // 6
    ct = rem - cr * 6
    g = jnp.zeros((_L,), jnp.float32)
    for d in range(10):
        a = _take(rows[d], ch)
        b = _take(rows[d], cr)
        t = _take(rows[d], ct)
        g = g + jnp.maximum(1.0 - a - b + t, 0.0)
    accbuf[...] = g
    pltpu.sync_copy(accbuf, gshared.at[pl.ds(sid * _L, _L)])
    plsc.subcore_barrier()
    pltpu.sync_copy(gshared, gbuf)

    acc = jnp.zeros((_L,), jnp.float32)
    for i in range(_ROWS_PER_W // _L):
        if i % (_CHUNK // _L) == 0:
            xdmas[i // (_CHUNK // _L)].wait()
        ridx = lanes + i * _L
        h = plsc.load_gather(xbuf, [ridx, col0])
        r = plsc.load_gather(xbuf, [ridx, col0 + 1])
        t = plsc.load_gather(xbuf, [ridx, col0 + 2])
        code = h * 36 + r * 6 + t
        acc = acc + plsc.load_gather(gbuf, [code])
    accbuf[...] = acc
    pltpu.sync_copy(accbuf, out_hbm.at[pl.ds(wid * _L, _L)])


def kernel(x, table):
    partials = _sc_loss(x.astype(jnp.int32), table.astype(jnp.float32))
    return jnp.sum(partials)

# --- scband reference (transcript-rebuilt; emitter-appended) ---
"""Pipeline reference for scband-trans-h-87024627352365 (READ-ONLY COPY).

The authoritative reference and input builder live on the scoring server;
editing this copy changes nothing except your own understanding.
"""

import jax, jax.numpy as jnp
import numpy as np


def setup_inputs(seed: int = 0) -> dict:
    key = jax.random.key(seed)
    k1, k2 = jax.random.split(key)
    # forward input: (h, r, t) triple indices, values in [0, 6)
    x = jax.random.randint(k1, (16384, 3), 0, 6)
    # learned parameter: Embedding(num_embeddings=6, embedding_dim=10)
    table = jax.random.normal(k2, (6, 10), dtype=jnp.float32)
    return {"x": x, "table": table}


def reference(x, table):
    # torch.chunk(x, 3, dim=1) on [B, 3] -> three [B, 1] index tensors
    h = x[:, 0:1]
    y = x[:, 1:2]
    t = x[:, 2:3]
    # embedding lookups -> [B, 1, 10]; torch.squeeze(dim=0) is a no-op for B > 1
    a = jnp.take(table, h, axis=0)
    b = jnp.take(table, y, axis=0)
    c = jnp.take(table, t, axis=0)
    x1 = a + b
    x2 = c
    # MarginRankingLoss(margin=1.0, reduction='sum') with target = ones:
    # loss = sum(max(0, -1 * (x1 - x2) + 1.0))
    loss = jnp.sum(jnp.maximum(0.0, -(x1 - x2) + 1.0))
    return loss

if __name__ == "__main__":
    import jax
    _d = setup_inputs()
    print(jax.jit(kernel)(*tuple(_d.values())))

</pallas_src>

<mosaic_0001>
#map = affine_map<(d0, d1) -> (0, 0)>
#map1 = affine_map<(d0, d1) -> (0)>
module attributes {stable_mosaic.version = 14 : i64} {
  func.func @_sc_loss(%arg0: i32, %arg1: i32, %arg2: memref<16384x3xi32, #tpu.memory_space<hbm>>, %arg3: memref<6x10xf32, #tpu.memory_space<hbm>>, %arg4: memref<512xf32, #tpu.memory_space<hbm>>, %arg5: memref<512x3xi32, #tpu.memory_space<vmem>>, %arg6: memref<16xi32, #tpu.memory_space<vmem>>, %arg7: memref<6x10xf32, #tpu.memory_space<vmem>>, %arg8: memref<256xf32, #tpu.memory_space<vmem>>, %arg9: memref<256xf32, #tpu.memory_space<vmem_shared>>, %arg10: memref<16xf32, #tpu.memory_space<vmem>>, %arg11: memref<!tpu.dma_semaphore, #tpu.memory_space<semaphore_mem>>, %arg12: memref<!tpu.dma_semaphore, #tpu.memory_space<semaphore_mem>>, %arg13: memref<!tpu.dma_semaphore, #tpu.memory_space<semaphore_mem>>, %arg14: memref<!tpu.dma_semaphore, #tpu.memory_space<semaphore_mem>>, %arg15: memref<!tpu.dma_semaphore, #tpu.memory_space<semaphore_mem>>) attributes {dimension_semantics = [#tpu.dimension_semantics<core_parallel>, #tpu.dimension_semantics<subcore_parallel>], iteration_bounds = array<i64: 2, 16>, scalar_prefetch = 0 : i64, scratch_operands = 11 : i64, tpu.core_type = #tpu.core_type<sc_vector_subcore>, window_params = [{transform_indices = #map}, {transform_indices = #map}, {transform_indices = #map1}]} {
    %mul3A = arith.constant 2 : i32
    %mul3A_0 = arith.muli %arg1, %mul3A : i32
    %add3A = arith.addi %mul3A_0, %arg0 : i32
    %mul3A_1 = arith.constant 512 : i32
    %mul3A_2 = arith.muli %add3A, %mul3A_1 : i32
    %add3A_3 = arith.constant 0 : i32
    %add3A_4 = arith.addi %mul3A_2, %add3A_3 : i32
    %dma_start3A = arith.constant 0 : i32
    %dma_start3A_5 = arith.constant 0 : i32
    %dma_start3A_6 = tpu.memref_slice %arg5[%dma_start3A, %dma_start3A_5] : memref<512x3xi32, #tpu.memory_space<vmem>> -> memref<256x3xi32, #tpu.memory_space<vmem>>
    %dma_start3A_7 = arith.constant 0 : i32
    %dma_start3A_8 = tpu.memref_slice %arg2[%add3A_4, %dma_start3A_7] : memref<16384x3xi32, #tpu.memory_space<hbm>> -> memref<256x3xi32, #tpu.memory_space<hbm>>
    %dma_start3A_9 = arith.constant 0 : i32
    %dma_start3A_10 = arith.constant 0 : i32
    %dma_start3A_11 = tpu.memref_slice %arg5[%dma_start3A_9, %dma_start3A_10] : memref<512x3xi32, #tpu.memory_space<vmem>> -> memref<256x3xi32, #tpu.memory_space<vmem>>
    %dma_start3A_12 = arith.constant 0 : i32
    %dma_start3A_13 = tpu.memref_slice %arg2[%add3A_4, %dma_start3A_12] : memref<16384x3xi32, #tpu.memory_space<hbm>> -> memref<256x3xi32, #tpu.memory_space<hbm>>
    tpu.enqueue_dma source(%dma_start3A_13 : memref<256x3xi32, #tpu.memory_space<hbm>>) target(%dma_start3A_11 : memref<256x3xi32, #tpu.memory_space<vmem>>) target_semaphore(%arg11 : memref<!tpu.dma_semaphore, #tpu.memory_space<semaphore_mem>>)
    %add3A_14 = arith.constant 256 : i32
    %add3A_15 = arith.addi %mul3A_2, %add3A_14 : i32
    %dma_start3A_16 = arith.constant 256 : i32
    %dma_start3A_17 = arith.constant 0 : i32
    %dma_start3A_18 = tpu.memref_slice %arg5[%dma_start3A_16, %dma_start3A_17] : memref<512x3xi32, #tpu.memory_space<vmem>> -> memref<256x3xi32, #tpu.memory_space<vmem>>
    %dma_start3A_19 = arith.constant 0 : i32
    %dma_start3A_20 = tpu.memref_slice %arg2[%add3A_15, %dma_start3A_19] : memref<16384x3xi32, #tpu.memory_space<hbm>> -> memref<256x3xi32, #tpu.memory_space<hbm>>
    %dma_start3A_21 = arith.constant 256 : i32
    %dma_start3A_22 = arith.constant 0 : i32
    %dma_start3A_23 = tpu.memref_slice %arg5[%dma_start3A_21, %dma_start3A_22] : memref<512x3xi32, #tpu.memory_space<vmem>> -> memref<256x3xi32, #tpu.memory_space<vmem>>
    %dma_start3A_24 = arith.constant 0 : i32
    %dma_start3A_25 = tpu.memref_slice %arg2[%add3A_15, %dma_start3A_24] : memref<16384x3xi32, #tpu.memory_space<hbm>> -> memref<256x3xi32, #tpu.memory_space<hbm>>
    tpu.enqueue_dma source(%dma_start3A_25 : memref<256x3xi32, #tpu.memory_space<hbm>>) target(%dma_start3A_23 : memref<256x3xi32, #tpu.memory_space<vmem>>) target_semaphore(%arg12 : memref<!tpu.dma_semaphore, #tpu.memory_space<semaphore_mem>>)
    tpu.enqueue_dma source(%arg3 : memref<6x10xf32, #tpu.memory_space<hbm>>) target(%arg7 : memref<6x10xf32, #tpu.memory_space<vmem>>) target_semaphore(%arg15 : memref<!tpu.dma_semaphore, #tpu.memory_space<semaphore_mem>>)
    %iota3A = tpu.iota {dimensions = array<i32: 0>} : vector<16xi32>
    %mul3A_26 = arith.constant 0 : i32
    %mul3A_27 = vector.broadcast %mul3A_26 : i32 to vector<16xi32>
    %mul3A_28 = arith.muli %iota3A, %mul3A_27 : vector<16xi32>
    %swap3A = arith.constant 0 : index
    %swap3A_29 = tpu.vector_load %arg6[%swap3A] {strides = array<i32>} : memref<16xi32, #tpu.memory_space<vmem>>, vector<16xi32>,
    tpu.vector_store %arg6[%swap3A], %mul3A_28 {strides = array<i32>} : memref<16xi32, #tpu.memory_space<vmem>>, vector<16xi32>,
    %get3A = arith.constant 0 : index
    %get3A_30 = tpu.vector_load %arg6[%get3A] {strides = array<i32>} : memref<16xi32, #tpu.memory_space<vmem>>, vector<16xi32>,
    %min3A = arith.constant 5 : i32
    %min3A_31 = vector.broadcast %min3A : i32 to vector<16xi32>
    %min3A_32 = arith.minsi %iota3A, %min3A_31 : vector<16xi32>
    tpu.wait_dma2 semaphore(%arg15 : memref<!tpu.dma_semaphore, #tpu.memory_space<semaphore_mem>>) src(%arg3 : memref<6x10xf32, #tpu.memory_space<hbm>>) dst(%arg7 : memref<6x10xf32, #tpu.memory_space<vmem>>)
    %add3A_33 = arith.constant 0 : i32
    %add3A_34 = vector.broadcast %add3A_33 : i32 to vector<16xi32>
    %add3A_35 = arith.addi %get3A_30, %add3A_34 : vector<16xi32>
    %gather3A = tpu.vector_load_idx %arg7[%min3A_32, %add3A_35] : memref<6x10xf32, #tpu.memory_space<vmem>>[vector<16xi32>, vector<16xi32>], vector<16xf32>,
    %add3A_36 = arith.constant 1 : i32
    %add3A_37 = vector.broadcast %add3A_36 : i32 to vector<16xi32>
    %add3A_38 = arith.addi %get3A_30, %add3A_37 : vector<16xi32>
    %gather3A_39 = tpu.vector_load_idx %arg7[%min3A_32, %add3A_38] : memref<6x10xf32, #tpu.memory_space<vmem>>[vector<16xi32>, vector<16xi32>], vector<16xf32>,
    %add3A_40 = arith.constant 2 : i32
    %add3A_41 = vector.broadcast %add3A_40 : i32 to vector<16xi32>
    %add3A_42 = arith.addi %get3A_30, %add3A_41 : vector<16xi32>
    %gather3A_43 = tpu.vector_load_idx %arg7[%min3A_32, %add3A_42] : memref<6x10xf32, #tpu.memory_space<vmem>>[vector<16xi32>, vector<16xi32>], vector<16xf32>,
    %add3A_44 = arith.constant 3 : i32
    %add3A_45 = vector.broadcast %add3A_44 : i32 to vector<16xi32>
    %add3A_46 = arith.addi %get3A_30, %add3A_45 : vector<16xi32>
    %gather3A_47 = tpu.vector_load_idx %arg7[%min3A_32, %add3A_46] : memref<6x10xf32, #tpu.memory_space<vmem>>[vector<16xi32>, vector<16xi32>], vector<16xf32>,
    %add3A_48 = arith.constant 4 : i32
    %add3A_49 = vector.broadcast %add3A_48 : i32 to vector<16xi32>
    %add3A_50 = arith.addi %get3A_30, %add3A_49 : vector<16xi32>
    %gather3A_51 = tpu.vector_load_idx %arg7[%min3A_32, %add3A_50] : memref<6x10xf32, #tpu.memory_space<vmem>>[vector<16xi32>, vector<16xi32>], vector<16xf32>,
    %add3A_52 = arith.constant 5 : i32
    %add3A_53 = vector.broadcast %add3A_52 : i32 to vector<16xi32>
    %add3A_54 = arith.addi %get3A_30, %add3A_53 : vector<16xi32>
    %gather3A_55 = tpu.vector_load_idx %arg7[%min3A_32, %add3A_54] : memref<6x10xf32, #tpu.memory_space<vmem>>[vector<16xi32>, vector<16xi32>], vector<16xf32>,
    %add3A_56 = arith.constant 6 : i32
    %add3A_57 = vector.broadcast %add3A_56 : i32 to vector<16xi32>
    %add3A_58 = arith.addi %get3A_30, %add3A_57 : vector<16xi32>
    %gather3A_59 = tpu.vector_load_idx %arg7[%min3A_32, %add3A_58] : memref<6x10xf32, #tpu.memory_space<vmem>>[vector<16xi32>, vector<16xi32>], vector<16xf32>,
    %add3A_60 = arith.constant 7 : i32
    %add3A_61 = vector.broadcast %add3A_60 : i32 to vector<16xi32>
    %add3A_62 = arith.addi %get3A_30, %add3A_61 : vector<16xi32>
    %gather3A_63 = tpu.vector_load_idx %arg7[%min3A_32, %add3A_62] : memref<6x10xf32, #tpu.memory_space<vmem>>[vector<16xi32>, vector<16xi32>], vector<16xf32>,
    %add3A_64 = arith.constant 8 : i32
    %add3A_65 = vector.broadcast %add3A_64 : i32 to vector<16xi32>
    %add3A_66 = arith.addi %get3A_30, %add3A_65 : vector<16xi32>
    %gather3A_67 = tpu.vector_load_idx %arg7[%min3A_32, %add3A_66] : memref<6x10xf32, #tpu.memory_space<vmem>>[vector<16xi32>, vector<16xi32>], vector<16xf32>,
    %add3A_68 = arith.constant 9 : i32
    %add3A_69 = vector.broadcast %add3A_68 : i32 to vector<16xi32>
    %add3A_70 = arith.addi %get3A_30, %add3A_69 : vector<16xi32>
    %gather3A_71 = tpu.vector_load_idx %arg7[%min3A_32, %add3A_70] : memref<6x10xf32, #tpu.memory_space<vmem>>[vector<16xi32>, vector<16xi32>], vector<16xf32>,
    %mul3A_72 = arith.constant 16 : i32
    %mul3A_73 = arith.muli %arg1, %mul3A_72 : i32
    %add3A_74 = vector.broadcast %mul3A_73 : i32 to vector<16xi32>
    %add3A_75 = arith.addi %iota3A, %add3A_74 : vector<16xi32>
    %min3A_76 = arith.constant 215 : i32
    %min3A_77 = vector.broadcast %min3A_76 : i32 to vector<16xi32>
    %min3A_78 = arith.minsi %add3A_75, %min3A_77 : vector<16xi32>
    %jit3A = arith.constant 36 : i32
    %div3A = vector.broadcast %jit3A : i32 to vector<16xi32>
    %div3A_79 = arith.divsi %min3A_78, %div3A : vector<16xi32>
    %sign3A = arith.constant 0 : i32
    %sign3A_80 = vector.broadcast %sign3A : i32 to vector<16xi32>
    %sign3A_81 = arith.cmpi sgt, %min3A_78, %sign3A_80 : vector<16xi32>
    %sign3A_82 = arith.extui %sign3A_81 : vector<16xi1> to vector<16xi32>
    %sign3A_83 = arith.constant 0 : i32
    %sign3A_84 = vector.broadcast %sign3A_83 : i32 to vector<16xi32>
    %sign3A_85 = arith.cmpi slt, %min3A_78, %sign3A_84 : vector<16xi32>
    %sign3A_86 = arith.extui %sign3A_85 : vector<16xi1> to vector<16xi32>
    %sign3A_87 = arith.subi %sign3A_82, %sign3A_86 : vector<16xi32>
    %sign3A_88 = arith.constant 0 : i32
    %sign3A_89 = arith.cmpi sgt, %jit3A, %sign3A_88 : i32
    %sign3A_90 = arith.extui %sign3A_89 : i1 to i32
    %sign3A_91 = arith.constant 0 : i32
    %sign3A_92 = arith.cmpi slt, %jit3A, %sign3A_91 : i32
    %sign3A_93 = arith.extui %sign3A_92 : i1 to i32
    %sign3A_94 = arith.subi %sign3A_90, %sign3A_93 : i32
    %ne3A = vector.broadcast %sign3A_94 : i32 to vector<16xi32>
    %ne3A_95 = arith.cmpi ne, %sign3A_87, %ne3A : vector<16xi32>
    %rem3A = vector.broadcast %jit3A : i32 to vector<16xi32>
    %rem3A_96 = arith.remsi %min3A_78, %rem3A : vector<16xi32>
    %ne3A_97 = arith.constant 0 : i32
    %ne3A_98 = vector.broadcast %ne3A_97 : i32 to vector<16xi32>
    %ne3A_99 = arith.cmpi ne, %rem3A_96, %ne3A_98 : vector<16xi32>
    %and3A = arith.andi %ne3A_95, %ne3A_99 : vector<16xi1>
    %sub3A = arith.constant 1 : i32
    %sub3A_100 = vector.broadcast %sub3A : i32 to vector<16xi32>
    %sub3A_101 = arith.subi %div3A_79, %sub3A_100 : vector<16xi32>
    %select_n3A = arith.select %and3A, %sub3A_101, %div3A_79 : vector<16xi1>, vector<16xi32>
    %mul3A_102 = arith.constant 36 : i32
    %mul3A_103 = vector.broadcast %mul3A_102 : i32 to vector<16xi32>
    %mul3A_104 = arith.muli %select_n3A, %mul3A_103 : vector<16xi32>
    %sub3A_105 = arith.subi %min3A_78, %mul3A_104 : vector<16xi32>
    %jit3A_106 = arith.constant 6 : i32
    %div3A_107 = vector.broadcast %jit3A_106 : i32 to vector<16xi32>
    %div3A_108 = arith.divsi %sub3A_105, %div3A_107 : vector<16xi32>
    %sign3A_109 = arith.constant 0 : i32
    %sign3A_110 = vector.broadcast %sign3A_109 : i32 to vector<16xi32>
    %sign3A_111 = arith.cmpi sgt, %sub3A_105, %sign3A_110 : vector<16xi32>
    %sign3A_112 = arith.extui %sign3A_111 : vector<16xi1> to vector<16xi32>
    %sign3A_113 = arith.constant 0 : i32
    %sign3A_114 = vector.broadcast %sign3A_113 : i32 to vector<16xi32>
    %sign3A_115 = arith.cmpi slt, %sub3A_105, %sign3A_114 : vector<16xi32>
    %sign3A_116 = arith.extui %sign3A_115 : vector<16xi1> to vector<16xi32>
    %sign3A_117 = arith.subi %sign3A_112, %sign3A_116 : vector<16xi32>
    %sign3A_118 = arith.constant 0 : i32
    %sign3A_119 = arith.cmpi sgt, %jit3A_106, %sign3A_118 : i32
    %sign3A_120 = arith.extui %sign3A_119 : i1 to i32
    %sign3A_121 = arith.constant 0 : i32
    %sign3A_122 = arith.cmpi slt, %jit3A_106, %sign3A_121 : i32
    %sign3A_123 = arith.extui %sign3A_122 : i1 to i32
    %sign3A_124 = arith.subi %sign3A_120, %sign3A_123 : i32
    %ne3A_125 = vector.broadcast %sign3A_124 : i32 to vector<16xi32>
    %ne3A_126 = arith.cmpi ne, %sign3A_117, %ne3A_125 : vector<16xi32>
    %rem3A_127 = vector.broadcast %jit3A_106 : i32 to vector<16xi32>
    %rem3A_128 = arith.remsi %sub3A_105, %rem3A_127 : vector<16xi32>
    %ne3A_129 = arith.constant 0 : i32
    %ne3A_130 = vector.broadcast %ne3A_129 : i32 to vector<16xi32>
    %ne3A_131 = arith.cmpi ne, %rem3A_128, %ne3A_130 : vector<16xi32>
    %and3A_132 = arith.andi %ne3A_126, %ne3A_131 : vector<16xi1>
    %sub3A_133 = arith.constant 1 : i32
    %sub3A_134 = vector.broadcast %sub3A_133 : i32 to vector<16xi32>
    %sub3A_135 = arith.subi %div3A_108, %sub3A_134 : vector<16xi32>
    %select_n3A_136 = arith.select %and3A_132, %sub3A_135, %div3A_108 : vector<16xi1>, vector<16xi32>
    %mul3A_137 = arith.constant 6 : i32
    %mul3A_138 = vector.broadcast %mul3A_137 : i32 to vector<16xi32>
    %mul3A_139 = arith.muli %select_n3A_136, %mul3A_138 : vector<16xi32>
    %sub3A_140 = arith.subi %sub3A_105, %mul3A_139 : vector<16xi32>
    %broadcast_in_dim3A = arith.constant 0.000000e+00 : f32
    %broadcast_in_dim3A_141 = vector.broadcast %broadcast_in_dim3A : f32 to vector<16xf32>
    %broadcast_in_dim3A_142 = vector.shape_cast %select_n3A : vector<16xi32> to vector<16x1xi32>
    %gather3A_143 = vector.shape_cast %broadcast_in_dim3A_142 : vector<16x1xi32> to vector<16xi32>
    %gather3A_144 = tpu.dynamic_gather %gather3A[%gather3A_143] in [0] : vector<16xf32>, vector<16xi32> -> vector<16xf32>
    %broadcast_in_dim3A_145 = vector.shape_cast %select_n3A_136 : vector<16xi32> to vector<16x1xi32>
    %gather3A_146 = vector.shape_cast %broadcast_in_dim3A_145 : vector<16x1xi32> to vector<16xi32>
    %gather3A_147 = tpu.dynamic_gather %gather3A[%gather3A_146] in [0] : vector<16xf32>, vector<16xi32> -> vector<16xf32>
    %broadcast_in_dim3A_148 = vector.shape_cast %sub3A_140 : vector<16xi32> to vector<16x1xi32>
    %gather3A_149 = vector.shape_cast %broadcast_in_dim3A_148 : vector<16x1xi32> to vector<16xi32>
    %gather3A_150 = tpu.dynamic_gather %gather3A[%gather3A_149] in [0] : vector<16xf32>, vector<16xi32> -> vector<16xf32>
    %sub3A_151 = arith.constant 1.000000e+00 : f32
    %sub3A_152 = vector.broadcast %sub3A_151 : f32 to vector<16xf32>
    %sub3A_153 = arith.subf %sub3A_152, %gather3A_144 : vector<16xf32>
    %sub3A_154 = arith.subf %sub3A_153, %gather3A_147 : vector<16xf32>
    %add3A_155 = arith.addf %sub3A_154, %gather3A_150 : vector<16xf32>
    %max3A = arith.constant 0.000000e+00 : f32
    %max3A_156 = vector.broadcast %max3A : f32 to vector<16xf32>
    %max3A_157 = arith.maximumf %add3A_155, %max3A_156 : vector<16xf32>
    %add3A_158 = arith.addf %broadcast_in_dim3A_141, %max3A_157 : vector<16xf32>
    %broadcast_in_dim3A_159 = vector.shape_cast %select_n3A : vector<16xi32> to vector<16x1xi32>
    %gather3A_160 = vector.shape_cast %broadcast_in_dim3A_159 : vector<16x1xi32> to vector<16xi32>
    %gather3A_161 = tpu.dynamic_gather %gather3A_39[%gather3A_160] in [0] : vector<16xf32>, vector<16xi32> -> vector<16xf32>
    %broadcast_in_dim3A_162 = vector.shape_cast %select_n3A_136 : vector<16xi32> to vector<16x1xi32>
    %gather3A_163 = vector.shape_cast %broadcast_in_dim3A_162 : vector<16x1xi32> to vector<16xi32>
    %gather3A_164 = tpu.dynamic_gather %gather3A_39[%gather3A_163] in [0] : vector<16xf32>, vector<16xi32> -> vector<16xf32>
    %broadcast_in_dim3A_165 = vector.shape_cast %sub3A_140 : vector<16xi32> to vector<16x1xi32>
    %gather3A_166 = vector.shape_cast %broadcast_in_dim3A_165 : vector<16x1xi32> to vector<16xi32>
    %gather3A_167 = tpu.dynamic_gather %gather3A_39[%gather3A_166] in [0] : vector<16xf32>, vector<16xi32> -> vector<16xf32>
    %sub3A_168 = arith.constant 1.000000e+00 : f32
    %sub3A_169 = vector.broadcast %sub3A_168 : f32 to vector<16xf32>
    %sub3A_170 = arith.subf %sub3A_169, %gather3A_161 : vector<16xf32>
    %sub3A_171 = arith.subf %sub3A_170, %gather3A_164 : vector<16xf32>
    %add3A_172 = arith.addf %sub3A_171, %gather3A_167 : vector<16xf32>
    %max3A_173 = arith.constant 0.000000e+00 : f32
    %max3A_174 = vector.broadcast %max3A_173 : f32 to vector<16xf32>
    %max3A_175 = arith.maximumf %add3A_172, %max3A_174 : vector<16xf32>
    %add3A_176 = arith.addf %add3A_158, %max3A_175 : vector<16xf32>
    %broadcast_in_dim3A_177 = vector.shape_cast %select_n3A : vector<16xi32> to vector<16x1xi32>
    %gather3A_178 = vector.shape_cast %broadcast_in_dim3A_177 : vector<16x1xi32> to vector<16xi32>
    %gather3A_179 = tpu.dynamic_gather %gather3A_43[%gather3A_178] in [0] : vector<16xf32>, vector<16xi32> -> vector<16xf32>
    %broadcast_in_dim3A_180 = vector.shape_cast %select_n3A_136 : vector<16xi32> to vector<16x1xi32>
    %gather3A_181 = vector.shape_cast %broadcast_in_dim3A_180 : vector<16x1xi32> to vector<16xi32>
    %gather3A_182 = tpu.dynamic_gather %gather3A_43[%gather3A_181] in [0] : vector<16xf32>, vector<16xi32> -> vector<16xf32>
    %broadcast_in_dim3A_183 = vector.shape_cast %sub3A_140 : vector<16xi32> to vector<16x1xi32>
    %gather3A_184 = vector.shape_cast %broadcast_in_dim3A_183 : vector<16x1xi32> to vector<16xi32>
    %gather3A_185 = tpu.dynamic_gather %gather3A_43[%gather3A_184] in [0] : vector<16xf32>, vector<16xi32> -> vector<16xf32>
    %sub3A_186 = arith.constant 1.000000e+00 : f32
    %sub3A_187 = vector.broadcast %sub3A_186 : f32 to vector<16xf32>
    %sub3A_188 = arith.subf %sub3A_187, %gather3A_179 : vector<16xf32>
    %sub3A_189 = arith.subf %sub3A_188, %gather3A_182 : vector<16xf32>
    %add3A_190 = arith.addf %sub3A_189, %gather3A_185 : vector<16xf32>
    %max3A_191 = arith.constant 0.000000e+00 : f32
    %max3A_192 = vector.broadcast %max3A_191 : f32 to vector<16xf32>
    %max3A_193 = arith.maximumf %add3A_190, %max3A_192 : vector<16xf32>
    %add3A_194 = arith.addf %add3A_176, %max3A_193 : vector<16xf32>
    %broadcast_in_dim3A_195 = vector.shape_cast %select_n3A : vector<16xi32> to vector<16x1xi32>
    %gather3A_196 = vector.shape_cast %broadcast_in_dim3A_195 : vector<16x1xi32> to vector<16xi32>
    %gather3A_197 = tpu.dynamic_gather %gather3A_47[%gather3A_196] in [0] : vector<16xf32>, vector<16xi32> -> vector<16xf32>
    %broadcast_in_dim3A_198 = vector.shape_cast %select_n3A_136 : vector<16xi32> to vector<16x1xi32>
    %gather3A_199 = vector.shape_cast %broadcast_in_dim3A_198 : vector<16x1xi32> to vector<16xi32>
    %gather3A_200 = tpu.dynamic_gather %gather3A_47[%gather3A_199] in [0] : vector<16xf32>, vector<16xi32> -> vector<16xf32>
    %broadcast_in_dim3A_201 = vector.shape_cast %sub3A_140 : vector<16xi32> to vector<16x1xi32>
    %gather3A_202 = vector.shape_cast %broadcast_in_dim3A_201 : vector<16x1xi32> to vector<16xi32>
    %gather3A_203 = tpu.dynamic_gather %gather3A_47[%gather3A_202] in [0] : vector<16xf32>, vector<16xi32> -> vector<16xf32>
    %sub3A_204 = arith.constant 1.000000e+00 : f32
    %sub3A_205 = vector.broadcast %sub3A_204 : f32 to vector<16xf32>
    %sub3A_206 = arith.subf %sub3A_205, %gather3A_197 : vector<16xf32>
    %sub3A_207 = arith.subf %sub3A_206, %gather3A_200 : vector<16xf32>
    %add3A_208 = arith.addf %sub3A_207, %gather3A_203 : vector<16xf32>
    %max3A_209 = arith.constant 0.000000e+00 : f32
    %max3A_210 = vector.broadcast %max3A_209 : f32 to vector<16xf32>
    %max3A_211 = arith.maximumf %add3A_208, %max3A_210 : vector<16xf32>
    %add3A_212 = arith.addf %add3A_194, %max3A_211 : vector<16xf32>
    %broadcast_in_dim3A_213 = vector.shape_cast %select_n3A : vector<16xi32> to vector<16x1xi32>
    %gather3A_214 = vector.shape_cast %broadcast_in_dim3A_213 : vector<16x1xi32> to vector<16xi32>
    %gather3A_215 = tpu.dynamic_gather %gather3A_51[%gather3A_214] in [0] : vector<16xf32>, vector<16xi32> -> vector<16xf32>
    %broadcast_in_dim3A_216 = vector.shape_cast %select_n3A_136 : vector<16xi32> to vector<16x1xi32>
    %gather3A_217 = vector.shape_cast %broadcast_in_dim3A_216 : vector<16x1xi32> to vector<16xi32>
    %gather3A_218 = tpu.dynamic_gather %gather3A_51[%gather3A_217] in [0] : vector<16xf32>, vector<16xi32> -> vector<16xf32>
    %broadcast_in_dim3A_219 = vector.shape_cast %sub3A_140 : vector<16xi32> to vector<16x1xi32>
    %gather3A_220 = vector.shape_cast %broadcast_in_dim3A_219 : vector<16x1xi32> to vector<16xi32>
    %gather3A_221 = tpu.dynamic_gather %gather3A_51[%gather3A_220] in [0] : vector<16xf32>, vector<16xi32> -> vector<16xf32>
    %sub3A_222 = arith.constant 1.000000e+00 : f32
    %sub3A_223 = vector.broadcast %sub3A_222 : f32 to vector<16xf32>
    %sub3A_224 = arith.subf %sub3A_223, %gather3A_215 : vector<16xf32>
    %sub3A_225 = arith.subf %sub3A_224, %gather3A_218 : vector<16xf32>
    %add3A_226 = arith.addf %sub3A_225, %gather3A_221 : vector<16xf32>
    %max3A_227 = arith.constant 0.000000e+00 : f32
    %max3A_228 = vector.broadcast %max3A_227 : f32 to vector<16xf32>
    %max3A_229 = arith.maximumf %add3A_226, %max3A_228 : vector<16xf32>
    %add3A_230 = arith.addf %add3A_212, %max3A_229 : vector<16xf32>
    %broadcast_in_dim3A_231 = vector.shape_cast %select_n3A : vector<16xi32> to vector<16x1xi32>
    %gather3A_232 = vector.shape_cast %broadcast_in_dim3A_231 : vector<16x1xi32> to vector<16xi32>
    %gather3A_233 = tpu.dynamic_gather %gather3A_55[%gather3A_232] in [0] : vector<16xf32>, vector<16xi32> -> vector<16xf32>
    %broadcast_in_dim3A_234 = vector.shape_cast %select_n3A_136 : vector<16xi32> to vector<16x1xi32>
    %gather3A_235 = vector.shape_cast %broadcast_in_dim3A_234 : vector<16x1xi32> to vector<16xi32>
    %gather3A_236 = tpu.dynamic_gather %gather3A_55[%gather3A_235] in [0] : vector<16xf32>, vector<16xi32> -> vector<16xf32>
    %broadcast_in_dim3A_237 = vector.shape_cast %sub3A_140 : vector<16xi32> to vector<16x1xi32>
    %gather3A_238 = vector.shape_cast %broadcast_in_dim3A_237 : vector<16x1xi32> to vector<16xi32>
    %gather3A_239 = tpu.dynamic_gather %gather3A_55[%gather3A_238] in [0] : vector<16xf32>, vector<16xi32> -> vector<16xf32>
    %sub3A_240 = arith.constant 1.000000e+00 : f32
    %sub3A_241 = vector.broadcast %sub3A_240 : f32 to vector<16xf32>
    %sub3A_242 = arith.subf %sub3A_241, %gather3A_233 : vector<16xf32>
    %sub3A_243 = arith.subf %sub3A_242, %gather3A_236 : vector<16xf32>
    %add3A_244 = arith.addf %sub3A_243, %gather3A_239 : vector<16xf32>
    %max3A_245 = arith.constant 0.000000e+00 : f32
    %max3A_246 = vector.broadcast %max3A_245 : f32 to vector<16xf32>
    %max3A_247 = arith.maximumf %add3A_244, %max3A_246 : vector<16xf32>
    %add3A_248 = arith.addf %add3A_230, %max3A_247 : vector<16xf32>
    %broadcast_in_dim3A_249 = vector.shape_cast %select_n3A : vector<16xi32> to vector<16x1xi32>
    %gather3A_250 = vector.shape_cast %broadcast_in_dim3A_249 : vector<16x1xi32> to vector<16xi32>
    %gather3A_251 = tpu.dynamic_gather %gather3A_59[%gather3A_250] in [0] : vector<16xf32>, vector<16xi32> -> vector<16xf32>
    %broadcast_in_dim3A_252 = vector.shape_cast %select_n3A_136 : vector<16xi32> to vector<16x1xi32>
    %gather3A_253 = vector.shape_cast %broadcast_in_dim3A_252 : vector<16x1xi32> to vector<16xi32>
    %gather3A_254 = tpu.dynamic_gather %gather3A_59[%gather3A_253] in [0] : vector<16xf32>, vector<16xi32> -> vector<16xf32>
    %broadcast_in_dim3A_255 = vector.shape_cast %sub3A_140 : vector<16xi32> to vector<16x1xi32>
    %gather3A_256 = vector.shape_cast %broadcast_in_dim3A_255 : vector<16x1xi32> to vector<16xi32>
    %gather3A_257 = tpu.dynamic_gather %gather3A_59[%gather3A_256] in [0] : vector<16xf32>, vector<16xi32> -> vector<16xf32>
    %sub3A_258 = arith.constant 1.000000e+00 : f32
    %sub3A_259 = vector.broadcast %sub3A_258 : f32 to vector<16xf32>
    %sub3A_260 = arith.subf %sub3A_259, %gather3A_251 : vector<16xf32>
    %sub3A_261 = arith.subf %sub3A_260, %gather3A_254 : vector<16xf32>
    %add3A_262 = arith.addf %sub3A_261, %gather3A_257 : vector<16xf32>
    %max3A_263 = arith.constant 0.000000e+00 : f32
    %max3A_264 = vector.broadcast %max3A_263 : f32 to vector<16xf32>
    %max3A_265 = arith.maximumf %add3A_262, %max3A_264 : vector<16xf32>
    %add3A_266 = arith.addf %add3A_248, %max3A_265 : vector<16xf32>
    %broadcast_in_dim3A_267 = vector.shape_cast %select_n3A : vector<16xi32> to vector<16x1xi32>
    %gather3A_268 = vector.shape_cast %broadcast_in_dim3A_267 : vector<16x1xi32> to vector<16xi32>
    %gather3A_269 = tpu.dynamic_gather %gather3A_63[%gather3A_268] in [0] : vector<16xf32>, vector<16xi32> -> vector<16xf32>
    %broadcast_in_dim3A_270 = vector.shape_cast %select_n3A_136 : vector<16xi32> to vector<16x1xi32>
    %gather3A_271 = vector.shape_cast %broadcast_in_dim3A_270 : vector<16x1xi32> to vector<16xi32>
    %gather3A_272 = tpu.dynamic_gather %gather3A_63[%gather3A_271] in [0] : vector<16xf32>, vector<16xi32> -> vector<16xf32>
    %broadcast_in_dim3A_273 = vector.shape_cast %sub3A_140 : vector<16xi32> to vector<16x1xi32>
    %gather3A_274 = vector.shape_cast %broadcast_in_dim3A_273 : vector<16x1xi32> to vector<16xi32>
    %gather3A_275 = tpu.dynamic_gather %gather3A_63[%gather3A_274] in [0] : vector<16xf32>, vector<16xi32> -> vector<16xf32>
    %sub3A_276 = arith.constant 1.000000e+00 : f32
    %sub3A_277 = vector.broadcast %sub3A_276 : f32 to vector<16xf32>
    %sub3A_278 = arith.subf %sub3A_277, %gather3A_269 : vector<16xf32>
    %sub3A_279 = arith.subf %sub3A_278, %gather3A_272 : vector<16xf32>
    %add3A_280 = arith.addf %sub3A_279, %gather3A_275 : vector<16xf32>
    %max3A_281 = arith.constant 0.000000e+00 : f32
    %max3A_282 = vector.broadcast %max3A_281 : f32 to vector<16xf32>
    %max3A_283 = arith.maximumf %add3A_280, %max3A_282 : vector<16xf32>
    %add3A_284 = arith.addf %add3A_266, %max3A_283 : vector<16xf32>
    %broadcast_in_dim3A_285 = vector.shape_cast %select_n3A : vector<16xi32> to vector<16x1xi32>
    %gather3A_286 = vector.shape_cast %broadcast_in_dim3A_285 : vector<16x1xi32> to vector<16xi32>
    %gather3A_287 = tpu.dynamic_gather %gather3A_67[%gather3A_286] in [0] : vector<16xf32>, vector<16xi32> -> vector<16xf32>
    %broadcast_in_dim3A_288 = vector.shape_cast %select_n3A_136 : vector<16xi32> to vector<16x1xi32>
    %gather3A_289 = vector.shape_cast %broadcast_in_dim3A_288 : vector<16x1xi32> to vector<16xi32>
    %gather3A_290 = tpu.dynamic_gather %gather3A_67[%gather3A_289] in [0] : vector<16xf32>, vector<16xi32> -> vector<16xf32>
    %broadcast_in_dim3A_291 = vector.shape_cast %sub3A_140 : vector<16xi32> to vector<16x1xi32>
    %gather3A_292 = vector.shape_cast %broadcast_in_dim3A_291 : vector<16x1xi32> to vector<16xi32>
    %gather3A_293 = tpu.dynamic_gather %gather3A_67[%gather3A_292] in [0] : vector<16xf32>, vector<16xi32> -> vector<16xf32>
    %sub3A_294 = arith.constant 1.000000e+00 : f32
    %sub3A_295 = vector.broadcast %sub3A_294 : f32 to vector<16xf32>
    %sub3A_296 = arith.subf %sub3A_295, %gather3A_287 : vector<16xf32>
    %sub3A_297 = arith.subf %sub3A_296, %gather3A_290 : vector<16xf32>
    %add3A_298 = arith.addf %sub3A_297, %gather3A_293 : vector<16xf32>
    %max3A_299 = arith.constant 0.000000e+00 : f32
    %max3A_300 = vector.broadcast %max3A_299 : f32 to vector<16xf32>
    %max3A_301 = arith.maximumf %add3A_298, %max3A_300 : vector<16xf32>
    %add3A_302 = arith.addf %add3A_284, %max3A_301 : vector<16xf32>
    %broadcast_in_dim3A_303 = vector.shape_cast %select_n3A : vector<16xi32> to vector<16x1xi32>
    %gather3A_304 = vector.shape_cast %broadcast_in_dim3A_303 : vector<16x1xi32> to vector<16xi32>
    %gather3A_305 = tpu.dynamic_gather %gather3A_71[%gather3A_304] in [0] : vector<16xf32>, vector<16xi32> -> vector<16xf32>
    %broadcast_in_dim3A_306 = vector.shape_cast %select_n3A_136 : vector<16xi32> to vector<16x1xi32>
    %gather3A_307 = vector.shape_cast %broadcast_in_dim3A_306 : vector<16x1xi32> to vector<16xi32>
    %gather3A_308 = tpu.dynamic_gather %gather3A_71[%gather3A_307] in [0] : vector<16xf32>, vector<16xi32> -> vector<16xf32>
    %broadcast_in_dim3A_309 = vector.shape_cast %sub3A_140 : vector<16xi32> to vector<16x1xi32>
    %gather3A_310 = vector.shape_cast %broadcast_in_dim3A_309 : vector<16x1xi32> to vector<16xi32>
    %gather3A_311 = tpu.dynamic_gather %gather3A_71[%gather3A_310] in [0] : vector<16xf32>, vector<16xi32> -> vector<16xf32>
    %sub3A_312 = arith.constant 1.000000e+00 : f32
    %sub3A_313 = vector.broadcast %sub3A_312 : f32 to vector<16xf32>
    %sub3A_314 = arith.subf %sub3A_313, %gather3A_305 : vector<16xf32>
    %sub3A_315 = arith.subf %sub3A_314, %gather3A_308 : vector<16xf32>
    %add3A_316 = arith.addf %sub3A_315, %gather3A_311 : vector<16xf32>
    %max3A_317 = arith.constant 0.000000e+00 : f32
    %max3A_318 = vector.broadcast %max3A_317 : f32 to vector<16xf32>
    %max3A_319 = arith.maximumf %add3A_316, %max3A_318 : vector<16xf32>
    %add3A_320 = arith.addf %add3A_302, %max3A_319 : vector<16xf32>
    %swap3A_321 = arith.constant 0 : index
    %swap3A_322 = tpu.vector_load %arg10[%swap3A_321] {strides = array<i32>} : memref<16xf32, #tpu.memory_space<vmem>>, vector<16xf32>,
    tpu.vector_store %arg10[%swap3A_321], %add3A_320 {strides = array<i32>} : memref<16xf32, #tpu.memory_space<vmem>>, vector<16xf32>,
    %mul3A_323 = arith.constant 16 : i32
    %mul3A_324 = arith.muli %arg1, %mul3A_323 : i32
    "tpu.region"() ({
      %run_scoped3A = tpu.sem_alloc : memref<!tpu.dma_semaphore, #tpu.memory_space<semaphore_mem>>
      %dma_start3A_1054 = tpu.memref_slice %arg9[%mul3A_324] : memref<256xf32, #tpu.memory_space<vmem_shared>> -> memref<16xf32, #tpu.memory_space<vmem_shared>>
      %dma_start3A_1055 = tpu.memref_slice %arg9[%mul3A_324] : memref<256xf32, #tpu.memory_space<vmem_shared>> -> memref<16xf32, #tpu.memory_space<vmem_shared>>
      tpu.enqueue_dma source(%arg10 : memref<16xf32, #tpu.memory_space<vmem>>) target(%dma_start3A_1055 : memref<16xf32, #tpu.memory_space<vmem_shared>>) target_semaphore(%run_scoped3A : memref<!tpu.dma_semaphore, #tpu.memory_space<semaphore_mem>>)
      %dma_wait3A_1056 = tpu.memref_slice %arg9[%mul3A_324] : memref<256xf32, #tpu.memory_space<vmem_shared>> -> memref<16xf32, #tpu.memory_space<vmem_shared>>
      %dma_wait3A_1057 = tpu.memref_slice %arg9[%mul3A_324] : memref<256xf32, #tpu.memory_space<vmem_shared>> -> memref<16xf32, #tpu.memory_space<vmem_shared>>
      tpu.wait_dma2 semaphore(%run_scoped3A : memref<!tpu.dma_semaphore, #tpu.memory_space<semaphore_mem>>) src(%arg10 : memref<16xf32, #tpu.memory_space<vmem>>) dst(%dma_wait3A_1057 : memref<16xf32, #tpu.memory_space<vmem_shared>>)
      tpu.yield
    }) : () -> ()
    %barrier3A = arith.constant 0 : index
    tpu.barrier barrier_id(%barrier3A)
    "tpu.region"() ({
      %run_scoped3A = tpu.sem_alloc : memref<!tpu.dma_semaphore, #tpu.memory_space<semaphore_mem>>
      tpu.enqueue_dma source(%arg9 : memref<256xf32, #tpu.memory_space<vmem_shared>>) target(%arg8 : memref<256xf32, #tpu.memory_space<vmem>>) target_semaphore(%run_scoped3A : memref<!tpu.dma_semaphore, #tpu.memory_space<semaphore_mem>>)
      tpu.wait_dma2 semaphore(%run_scoped3A : memref<!tpu.dma_semaphore, #tpu.memory_space<semaphore_mem>>) src(%arg9 : memref<256xf32, #tpu.memory_space<vmem_shared>>) dst(%arg8 : memref<256xf32, #tpu.memory_space<vmem>>)
      tpu.yield
    }) : () -> ()
    %broadcast_in_dim3A_325 = arith.constant 0.000000e+00 : f32
    %broadcast_in_dim3A_326 = vector.broadcast %broadcast_in_dim3A_325 : f32 to vector<16xf32>
    %dma_wait3A = arith.constant 0 : i32
    %dma_wait3A_327 = arith.constant 0 : i32
    %dma_wait3A_328 = tpu.memref_slice %arg5[%dma_wait3A, %dma_wait3A_327] : memref<512x3xi32, #tpu.memory_space<vmem>> -> memref<256x3xi32, #tpu.memory_space<vmem>>
    %dma_wait3A_329 = arith.constant 0 : i32
    %dma_wait3A_330 = tpu.memref_slice %arg2[%add3A_4, %dma_wait3A_329] : memref<16384x3xi32, #tpu.memory_space<hbm>> -> memref<256x3xi32, #tpu.memory_space<hbm>>
    %dma_wait3A_331 = arith.constant 0 : i32
    %dma_wait3A_332 = arith.constant 0 : i32
    %dma_wait3A_333 = tpu.memref_slice %arg5[%dma_wait3A_331, %dma_wait3A_332] : memref<512x3xi32, #tpu.memory_space<vmem>> -> memref<256x3xi32, #tpu.memory_space<vmem>>
    %dma_wait3A_334 = arith.constant 0 : i32
    %dma_wait3A_335 = tpu.memref_slice %arg2[%add3A_4, %dma_wait3A_334] : memref<16384x3xi32, #tpu.memory_space<hbm>> -> memref<256x3xi32, #tpu.memory_space<hbm>>
    tpu.wait_dma2 semaphore(%arg11 : memref<!tpu.dma_semaphore, #tpu.memory_space<semaphore_mem>>) src(%dma_wait3A_335 : memref<256x3xi32, #tpu.memory_space<hbm>>) dst(%dma_wait3A_333 : memref<256x3xi32, #tpu.memory_space<vmem>>)
    %add3A_336 = arith.constant 0 : i32
    %add3A_337 = vector.broadcast %add3A_336 : i32 to vector<16xi32>
    %add3A_338 = arith.addi %iota3A, %add3A_337 : vector<16xi32>
    %gather3A_339 = tpu.vector_load_idx %arg5[%add3A_338, %get3A_30] : memref<512x3xi32, #tpu.memory_space<vmem>>[vector<16xi32>, vector<16xi32>], vector<16xi32>,
    %add3A_340 = arith.constant 1 : i32
    %add3A_341 = vector.broadcast %add3A_340 : i32 to vector<16xi32>
    %add3A_342 = arith.addi %get3A_30, %add3A_341 : vector<16xi32>
    %gather3A_343 = tpu.vector_load_idx %arg5[%add3A_338, %add3A_342] : memref<512x3xi32, #tpu.memory_space<vmem>>[vector<16xi32>, vector<16xi32>], vector<16xi32>,
    %add3A_344 = arith.constant 2 : i32
    %add3A_345 = vector.broadcast %add3A_344 : i32 to vector<16xi32>
    %add3A_346 = arith.addi %get3A_30, %add3A_345 : vector<16xi32>
    %gather3A_347 = tpu.vector_load_idx %arg5[%add3A_338, %add3A_346] : memref<512x3xi32, #tpu.memory_space<vmem>>[vector<16xi32>, vector<16xi32>], vector<16xi32>,
    %mul3A_348 = arith.constant 36 : i32
    %mul3A_349 = vector.broadcast %mul3A_348 : i32 to vector<16xi32>
    %mul3A_350 = arith.muli %gather3A_339, %mul3A_349 : vector<16xi32>
    %mul3A_351 = arith.constant 6 : i32
    %mul3A_352 = vector.broadcast %mul3A_351 : i32 to vector<16xi32>
    %mul3A_353 = arith.muli %gather3A_343, %mul3A_352 : vector<16xi32>
    %add3A_354 = arith.addi %mul3A_350, %mul3A_353 : vector<16xi32>
    %add3A_355 = arith.addi %add3A_354, %gather3A_347 : vector<16xi32>
    %gather3A_356 = tpu.vector_load_idx %arg8[%add3A_355] : memref<256xf32, #tpu.memory_space<vmem>>[vector<16xi32>], vector<16xf32>,
    %add3A_357 = arith.addf %broadcast_in_dim3A_326, %gather3A_356 : vector<16xf32>
    %add3A_358 = arith.constant 16 : i32
    %add3A_359 = vector.broadcast %add3A_358 : i32 to vector<16xi32>
    %add3A_360 = arith.addi %iota3A, %add3A_359 : vector<16xi32>
    %gather3A_361 = tpu.vector_load_idx %arg5[%add3A_360, %get3A_30] : memref<512x3xi32, #tpu.memory_space<vmem>>[vector<16xi32>, vector<16xi32>], vector<16xi32>,
    %add3A_362 = arith.constant 1 : i32
    %add3A_363 = vector.broadcast %add3A_362 : i32 to vector<16xi32>
    %add3A_364 = arith.addi %get3A_30, %add3A_363 : vector<16xi32>
    %gather3A_365 = tpu.vector_load_idx %arg5[%add3A_360, %add3A_364] : memref<512x3xi32, #tpu.memory_space<vmem>>[vector<16xi32>, vector<16xi32>], vector<16xi32>,
    %add3A_366 = arith.constant 2 : i32
    %add3A_367 = vector.broadcast %add3A_366 : i32 to vector<16xi32>
    %add3A_368 = arith.addi %get3A_30, %add3A_367 : vector<16xi32>
    %gather3A_369 = tpu.vector_load_idx %arg5[%add3A_360, %add3A_368] : memref<512x3xi32, #tpu.memory_space<vmem>>[vector<16xi32>, vector<16xi32>], vector<16xi32>,
    %mul3A_370 = arith.constant 36 : i32
    %mul3A_371 = vector.broadcast %mul3A_370 : i32 to vector<16xi32>
    %mul3A_372 = arith.muli %gather3A_361, %mul3A_371 : vector<16xi32>
    %mul3A_373 = arith.constant 6 : i32
    %mul3A_374 = vector.broadcast %mul3A_373 : i32 to vector<16xi32>
    %mul3A_375 = arith.muli %gather3A_365, %mul3A_374 : vector<16xi32>
    %add3A_376 = arith.addi %mul3A_372, %mul3A_375 : vector<16xi32>
    %add3A_377 = arith.addi %add3A_376, %gather3A_369 : vector<16xi32>
    %gather3A_378 = tpu.vector_load_idx %arg8[%add3A_377] : memref<256xf32, #tpu.memory_space<vmem>>[vector<16xi32>], vector<16xf32>,
    %add3A_379 = arith.addf %add3A_357, %gather3A_378 : vector<16xf32>
    %add3A_380 = arith.constant 32 : i32
    %add3A_381 = vector.broadcast %add3A_380 : i32 to vector<16xi32>
    %add3A_382 = arith.addi %iota3A, %add3A_381 : vector<16xi32>
    %gather3A_383 = tpu.vector_load_idx %arg5[%add3A_382, %get3A_30] : memref<512x3xi32, #tpu.memory_space<vmem>>[vector<16xi32>, vector<16xi32>], vector<16xi32>,
    %add3A_384 = arith.constant 1 : i32
    %add3A_385 = vector.broadcast %add3A_384 : i32 to vector<16xi32>
    %add3A_386 = arith.addi %get3A_30, %add3A_385 : vector<16xi32>
    %gather3A_387 = tpu.vector_load_idx %arg5[%add3A_382, %add3A_386] : memref<512x3xi32, #tpu.memory_space<vmem>>[vector<16xi32>, vector<16xi32>], vector<16xi32>,
    %add3A_388 = arith.constant 2 : i32
    %add3A_389 = vector.broadcast %add3A_388 : i32 to vector<16xi32>
    %add3A_390 = arith.addi %get3A_30, %add3A_389 : vector<16xi32>
    %gather3A_391 = tpu.vector_load_idx %arg5[%add3A_382, %add3A_390] : memref<512x3xi32, #tpu.memory_space<vmem>>[vector<16xi32>, vector<16xi32>], vector<16xi32>,
    %mul3A_392 = arith.constant 36 : i32
    %mul3A_393 = vector.broadcast %mul3A_392 : i32 to vector<16xi32>
    %mul3A_394 = arith.muli %gather3A_383, %mul3A_393 : vector<16xi32>
    %mul3A_395 = arith.constant 6 : i32
    %mul3A_396 = vector.broadcast %mul3A_395 : i32 to vector<16xi32>
    %mul3A_397 = arith.muli %gather3A_387, %mul3A_396 : vector<16xi32>
    %add3A_398 = arith.addi %mul3A_394, %mul3A_397 : vector<16xi32>
    %add3A_399 = arith.addi %add3A_398, %gather3A_391 : vector<16xi32>
    %gather3A_400 = tpu.vector_load_idx %arg8[%add3A_399] : memref<256xf32, #tpu.memory_space<vmem>>[vector<16xi32>], vector<16xf32>,
    %add3A_401 = arith.addf %add3A_379, %gather3A_400 : vector<16xf32>
    %add3A_402 = arith.constant 48 : i32
    %add3A_403 = vector.broadcast %add3A_402 : i32 to vector<16xi32>
    %add3A_404 = arith.addi %iota3A, %add3A_403 : vector<16xi32>
    %gather3A_405 = tpu.vector_load_idx %arg5[%add3A_404, %get3A_30] : memref<512x3xi32, #tpu.memory_space<vmem>>[vector<16xi32>, vector<16xi32>], vector<16xi32>,
    %add3A_406 = arith.constant 1 : i32
    %add3A_407 = vector.broadcast %add3A_406 : i32 to vector<16xi32>
    %add3A_408 = arith.addi %get3A_30, %add3A_407 : vector<16xi32>
    %gather3A_409 = tpu.vector_load_idx %arg5[%add3A_404, %add3A_408] : memref<512x3xi32, #tpu.memory_space<vmem>>[vector<16xi32>, vector<16xi32>], vector<16xi32>,
    %add3A_410 = arith.constant 2 : i32
    %add3A_411 = vector.broadcast %add3A_410 : i32 to vector<16xi32>
    %add3A_412 = arith.addi %get3A_30, %add3A_411 : vector<16xi32>
    %gather3A_413 = tpu.vector_load_idx %arg5[%add3A_404, %add3A_412] : memref<512x3xi32, #tpu.memory_space<vmem>>[vector<16xi32>, vector<16xi32>], vector<16xi32>,
    %mul3A_414 = arith.constant 36 : i32
    %mul3A_415 = vector.broadcast %mul3A_414 : i32 to vector<16xi32>
    %mul3A_416 = arith.muli %gather3A_405, %mul3A_415 : vector<16xi32>
    %mul3A_417 = arith.constant 6 : i32
    %mul3A_418 = vector.broadcast %mul3A_417 : i32 to vector<16xi32>
    %mul3A_419 = arith.muli %gather3A_409, %mul3A_418 : vector<16xi32>
    %add3A_420 = arith.addi %mul3A_416, %mul3A_419 : vector<16xi32>
    %add3A_421 = arith.addi %add3A_420, %gather3A_413 : vector<16xi32>
    %gather3A_422 = tpu.vector_load_idx %arg8[%add3A_421] : memref<256xf32, #tpu.memory_space<vmem>>[vector<16xi32>], vector<16xf32>,
    %add3A_423 = arith.addf %add3A_401, %gather3A_422 : vector<16xf32>
    %add3A_424 = arith.constant 64 : i32
    %add3A_425 = vector.broadcast %add3A_424 : i32 to vector<16xi32>
    %add3A_426 = arith.addi %iota3A, %add3A_425 : vector<16xi32>
    %gather3A_427 = tpu.vector_load_idx %arg5[%add3A_426, %get3A_30] : memref<512x3xi32, #tpu.memory_space<vmem>>[vector<16xi32>, vector<16xi32>], vector<16xi32>,
    %add3A_428 = arith.constant 1 : i32
    %add3A_429 = vector.broadcast %add3A_428 : i32 to vector<16xi32>
    %add3A_430 = arith.addi %get3A_30, %add3A_429 : vector<16xi32>
    %gather3A_431 = tpu.vector_load_idx %arg5[%add3A_426, %add3A_430] : memref<512x3xi32, #tpu.memory_space<vmem>>[vector<16xi32>, vector<16xi32>], vector<16xi32>,
    %add3A_432 = arith.constant 2 : i32
    %add3A_433 = vector.broadcast %add3A_432 : i32 to vector<16xi32>
    %add3A_434 = arith.addi %get3A_30, %add3A_433 : vector<16xi32>
    %gather3A_435 = tpu.vector_load_idx %arg5[%add3A_426, %add3A_434] : memref<512x3xi32, #tpu.memory_space<vmem>>[vector<16xi32>, vector<16xi32>], vector<16xi32>,
    %mul3A_436 = arith.constant 36 : i32
    %mul3A_437 = vector.broadcast %mul3A_436 : i32 to vector<16xi32>
    %mul3A_438 = arith.muli %gather3A_427, %mul3A_437 : vector<16xi32>
    %mul3A_439 = arith.constant 6 : i32
    %mul3A_440 = vector.broadcast %mul3A_439 : i32 to vector<16xi32>
    %mul3A_441 = arith.muli %gather3A_431, %mul3A_440 : vector<16xi32>
    %add3A_442 = arith.addi %mul3A_438, %mul3A_441 : vector<16xi32>
    %add3A_443 = arith.addi %add3A_442, %gather3A_435 : vector<16xi32>
    %gather3A_444 = tpu.vector_load_idx %arg8[%add3A_443] : memref<256xf32, #tpu.memory_space<vmem>>[vector<16xi32>], vector<16xf32>,
    %add3A_445 = arith.addf %add3A_423, %gather3A_444 : vector<16xf32>
    %add3A_446 = arith.constant 80 : i32
    %add3A_447 = vector.broadcast %add3A_446 : i32 to vector<16xi32>
    %add3A_448 = arith.addi %iota3A, %add3A_447 : vector<16xi32>
    %gather3A_449 = tpu.vector_load_idx %arg5[%add3A_448, %get3A_30] : memref<512x3xi32, #tpu.memory_space<vmem>>[vector<16xi32>, vector<16xi32>], vector<16xi32>,
    %add3A_450 = arith.constant 1 : i32
    %add3A_451 = vector.broadcast %add3A_450 : i32 to vector<16xi32>
    %add3A_452 = arith.addi %get3A_30, %add3A_451 : vector<16xi32>
    %gather3A_453 = tpu.vector_load_idx %arg5[%add3A_448, %add3A_452] : memref<512x3xi32, #tpu.memory_space<vmem>>[vector<16xi32>, vector<16xi32>], vector<16xi32>,
    %add3A_454 = arith.constant 2 : i32
    %add3A_455 = vector.broadcast %add3A_454 : i32 to vector<16xi32>
    %add3A_456 = arith.addi %get3A_30, %add3A_455 : vector<16xi32>
    %gather3A_457 = tpu.vector_load_idx %arg5[%add3A_448, %add3A_456] : memref<512x3xi32, #tpu.memory_space<vmem>>[vector<16xi32>, vector<16xi32>], vector<16xi32>,
    %mul3A_458 = arith.constant 36 : i32
    %mul3A_459 = vector.broadcast %mul3A_458 : i32 to vector<16xi32>
    %mul3A_460 = arith.muli %gather3A_449, %mul3A_459 : vector<16xi32>
    %mul3A_461 = arith.constant 6 : i32
    %mul3A_462 = vector.broadcast %mul3A_461 : i32 to vector<16xi32>
    %mul3A_463 = arith.muli %gather3A_453, %mul3A_462 : vector<16xi32>
    %add3A_464 = arith.addi %mul3A_460, %mul3A_463 : vector<16xi32>
    %add3A_465 = arith.addi %add3A_464, %gather3A_457 : vector<16xi32>
    %gather3A_466 = tpu.vector_load_idx %arg8[%add3A_465] : memref<256xf32, #tpu.memory_space<vmem>>[vector<16xi32>], vector<16xf32>,
    %add3A_467 = arith.addf %add3A_445, %gather3A_466 : vector<16xf32>
    %add3A_468 = arith.constant 96 : i32
    %add3A_469 = vector.broadcast %add3A_468 : i32 to vector<16xi32>
    %add3A_470 = arith.addi %iota3A, %add3A_469 : vector<16xi32>
    %gather3A_471 = tpu.vector_load_idx %arg5[%add3A_470, %get3A_30] : memref<512x3xi32, #tpu.memory_space<vmem>>[vector<16xi32>, vector<16xi32>], vector<16xi32>,
    %add3A_472 = arith.constant 1 : i32
    %add3A_473 = vector.broadcast %add3A_472 : i32 to vector<16xi32>
    %add3A_474 = arith.addi %get3A_30, %add3A_473 : vector<16xi32>
    %gather3A_475 = tpu.vector_load_idx %arg5[%add3A_470, %add3A_474] : memref<512x3xi32, #tpu.memory_space<vmem>>[vector<16xi32>, vector<16xi32>], vector<16xi32>,
    %add3A_476 = arith.constant 2 : i32
    %add3A_477 = vector.broadcast %add3A_476 : i32 to vector<16xi32>
    %add3A_478 = arith.addi %get3A_30, %add3A_477 : vector<16xi32>
    %gather3A_479 = tpu.vector_load_idx %arg5[%add3A_470, %add3A_478] : memref<512x3xi32, #tpu.memory_space<vmem>>[vector<16xi32>, vector<16xi32>], vector<16xi32>,
    %mul3A_480 = arith.constant 36 : i32
    %mul3A_481 = vector.broadcast %mul3A_480 : i32 to vector<16xi32>
    %mul3A_482 = arith.muli %gather3A_471, %mul3A_481 : vector<16xi32>
    %mul3A_483 = arith.constant 6 : i32
    %mul3A_484 = vector.broadcast %mul3A_483 : i32 to vector<16xi32>
    %mul3A_485 = arith.muli %gather3A_475, %mul3A_484 : vector<16xi32>
    %add3A_486 = arith.addi %mul3A_482, %mul3A_485 : vector<16xi32>
    %add3A_487 = arith.addi %add3A_486, %gather3A_479 : vector<16xi32>
    %gather3A_488 = tpu.vector_load_idx %arg8[%add3A_487] : memref<256xf32, #tpu.memory_space<vmem>>[vector<16xi32>], vector<16xf32>,
    %add3A_489 = arith.addf %add3A_467, %gather3A_488 : vector<16xf32>
    %add3A_490 = arith.constant 112 : i32
    %add3A_491 = vector.broadcast %add3A_490 : i32 to vector<16xi32>
    %add3A_492 = arith.addi %iota3A, %add3A_491 : vector<16xi32>
    %gather3A_493 = tpu.vector_load_idx %arg5[%add3A_492, %get3A_30] : memref<512x3xi32, #tpu.memory_space<vmem>>[vector<16xi32>, vector<16xi32>], vector<16xi32>,
    %add3A_494 = arith.constant 1 : i32
    %add3A_495 = vector.broadcast %add3A_494 : i32 to vector<16xi32>
    %add3A_496 = arith.addi %get3A_30, %add3A_495 : vector<16xi32>
    %gather3A_497 = tpu.vector_load_idx %arg5[%add3A_492, %add3A_496] : memref<512x3xi32, #tpu.memory_space<vmem>>[vector<16xi32>, vector<16xi32>], vector<16xi32>,
    %add3A_498 = arith.constant 2 : i32
    %add3A_499 = vector.broadcast %add3A_498 : i32 to vector<16xi32>
    %add3A_500 = arith.addi %get3A_30, %add3A_499 : vector<16xi32>
    %gather3A_501 = tpu.vector_load_idx %arg5[%add3A_492, %add3A_500] : memref<512x3xi32, #tpu.memory_space<vmem>>[vector<16xi32>, vector<16xi32>], vector<16xi32>,
    %mul3A_502 = arith.constant 36 : i32
    %mul3A_503 = vector.broadcast %mul3A_502 : i32 to vector<16xi32>
    %mul3A_504 = arith.muli %gather3A_493, %mul3A_503 : vector<16xi32>
    %mul3A_505 = arith.constant 6 : i32
    %mul3A_506 = vector.broadcast %mul3A_505 : i32 to vector<16xi32>
    %mul3A_507 = arith.muli %gather3A_497, %mul3A_506 : vector<16xi32>
    %add3A_508 = arith.addi %mul3A_504, %mul3A_507 : vector<16xi32>
    %add3A_509 = arith.addi %add3A_508, %gather3A_501 : vector<16xi32>
    %gather3A_510 = tpu.vector_load_idx %arg8[%add3A_509] : memref<256xf32, #tpu.memory_space<vmem>>[vector<16xi32>], vector<16xf32>,
    %add3A_511 = arith.addf %add3A_489, %gather3A_510 : vector<16xf32>
    %add3A_512 = arith.constant 128 : i32
    %add3A_513 = vector.broadcast %add3A_512 : i32 to vector<16xi32>
    %add3A_514 = arith.addi %iota3A, %add3A_513 : vector<16xi32>
    %gather3A_515 = tpu.vector_load_idx %arg5[%add3A_514, %get3A_30] : memref<512x3xi32, #tpu.memory_space<vmem>>[vector<16xi32>, vector<16xi32>], vector<16xi32>,
    %add3A_516 = arith.constant 1 : i32
    %add3A_517 = vector.broadcast %add3A_516 : i32 to vector<16xi32>
    %add3A_518 = arith.addi %get3A_30, %add3A_517 : vector<16xi32>
    %gather3A_519 = tpu.vector_load_idx %arg5[%add3A_514, %add3A_518] : memref<512x3xi32, #tpu.memory_space<vmem>>[vector<16xi32>, vector<16xi32>], vector<16xi32>,
    %add3A_520 = arith.constant 2 : i32
    %add3A_521 = vector.broadcast %add3A_520 : i32 to vector<16xi32>
    %add3A_522 = arith.addi %get3A_30, %add3A_521 : vector<16xi32>
    %gather3A_523 = tpu.vector_load_idx %arg5[%add3A_514, %add3A_522] : memref<512x3xi32, #tpu.memory_space<vmem>>[vector<16xi32>, vector<16xi32>], vector<16xi32>,
    %mul3A_524 = arith.constant 36 : i32
    %mul3A_525 = vector.broadcast %mul3A_524 : i32 to vector<16xi32>
    %mul3A_526 = arith.muli %gather3A_515, %mul3A_525 : vector<16xi32>
    %mul3A_527 = arith.constant 6 : i32
    %mul3A_528 = vector.broadcast %mul3A_527 : i32 to vector<16xi32>
    %mul3A_529 = arith.muli %gather3A_519, %mul3A_528 : vector<16xi32>
    %add3A_530 = arith.addi %mul3A_526, %mul3A_529 : vector<16xi32>
    %add3A_531 = arith.addi %add3A_530, %gather3A_523 : vector<16xi32>
    %gather3A_532 = tpu.vector_load_idx %arg8[%add3A_531] : memref<256xf32, #tpu.memory_space<vmem>>[vector<16xi32>], vector<16xf32>,
    %add3A_533 = arith.addf %add3A_511, %gather3A_532 : vector<16xf32>
    %add3A_534 = arith.constant 144 : i32
    %add3A_535 = vector.broadcast %add3A_534 : i32 to vector<16xi32>
    %add3A_536 = arith.addi %iota3A, %add3A_535 : vector<16xi32>
    %gather3A_537 = tpu.vector_load_idx %arg5[%add3A_536, %get3A_30] : memref<512x3xi32, #tpu.memory_space<vmem>>[vector<16xi32>, vector<16xi32>], vector<16xi32>,
    %add3A_538 = arith.constant 1 : i32
    %add3A_539 = vector.broadcast %add3A_538 : i32 to vector<16xi32>
    %add3A_540 = arith.addi %get3A_30, %add3A_539 : vector<16xi32>
    %gather3A_541 = tpu.vector_load_idx %arg5[%add3A_536, %add3A_540] : memref<512x3xi32, #tpu.memory_space<vmem>>[vector<16xi32>, vector<16xi32>], vector<16xi32>,
    %add3A_542 = arith.constant 2 : i32
    %add3A_543 = vector.broadcast %add3A_542 : i32 to vector<16xi32>
    %add3A_544 = arith.addi %get3A_30, %add3A_543 : vector<16xi32>
    %gather3A_545 = tpu.vector_load_idx %arg5[%add3A_536, %add3A_544] : memref<512x3xi32, #tpu.memory_space<vmem>>[vector<16xi32>, vector<16xi32>], vector<16xi32>,
    %mul3A_546 = arith.constant 36 : i32
    %mul3A_547 = vector.broadcast %mul3A_546 : i32 to vector<16xi32>
    %mul3A_548 = arith.muli %gather3A_537, %mul3A_547 : vector<16xi32>
    %mul3A_549 = arith.constant 6 : i32
    %mul3A_550 = vector.broadcast %mul3A_549 : i32 to vector<16xi32>
    %mul3A_551 = arith.muli %gather3A_541, %mul3A_550 : vector<16xi32>
    %add3A_552 = arith.addi %mul3A_548, %mul3A_551 : vector<16xi32>
    %add3A_553 = arith.addi %add3A_552, %gather3A_545 : vector<16xi32>
    %gather3A_554 = tpu.vector_load_idx %arg8[%add3A_553] : memref<256xf32, #tpu.memory_space<vmem>>[vector<16xi32>], vector<16xf32>,
    %add3A_555 = arith.addf %add3A_533, %gather3A_554 : vector<16xf32>
    %add3A_556 = arith.constant 160 : i32
    %add3A_557 = vector.broadcast %add3A_556 : i32 to vector<16xi32>
    %add3A_558 = arith.addi %iota3A, %add3A_557 : vector<16xi32>
    %gather3A_559 = tpu.vector_load_idx %arg5[%add3A_558, %get3A_30] : memref<512x3xi32, #tpu.memory_space<vmem>>[vector<16xi32>, vector<16xi32>], vector<16xi32>,
    %add3A_560 = arith.constant 1 : i32
    %add3A_561 = vector.broadcast %add3A_560 : i32 to vector<16xi32>
    %add3A_562 = arith.addi %get3A_30, %add3A_561 : vector<16xi32>
    %gather3A_563 = tpu.vector_load_idx %arg5[%add3A_558, %add3A_562] : memref<512x3xi32, #tpu.memory_space<vmem>>[vector<16xi32>, vector<16xi32>], vector<16xi32>,
    %add3A_564 = arith.constant 2 : i32
    %add3A_565 = vector.broadcast %add3A_564 : i32 to vector<16xi32>
    %add3A_566 = arith.addi %get3A_30, %add3A_565 : vector<16xi32>
    %gather3A_567 = tpu.vector_load_idx %arg5[%add3A_558, %add3A_566] : memref<512x3xi32, #tpu.memory_space<vmem>>[vector<16xi32>, vector<16xi32>], vector<16xi32>,
    %mul3A_568 = arith.constant 36 : i32
    %mul3A_569 = vector.broadcast %mul3A_568 : i32 to vector<16xi32>
    %mul3A_570 = arith.muli %gather3A_559, %mul3A_569 : vector<16xi32>
    %mul3A_571 = arith.constant 6 : i32
    %mul3A_572 = vector.broadcast %mul3A_571 : i32 to vector<16xi32>
    %mul3A_573 = arith.muli %gather3A_563, %mul3A_572 : vector<16xi32>
    %add3A_574 = arith.addi %mul3A_570, %mul3A_573 : vector<16xi32>
    %add3A_575 = arith.addi %add3A_574, %gather3A_567 : vector<16xi32>
    %gather3A_576 = tpu.vector_load_idx %arg8[%add3A_575] : memref<256xf32, #tpu.memory_space<vmem>>[vector<16xi32>], vector<16xf32>,
    %add3A_577 = arith.addf %add3A_555, %gather3A_576 : vector<16xf32>
    %add3A_578 = arith.constant 176 : i32
    %add3A_579 = vector.broadcast %add3A_578 : i32 to vector<16xi32>
    %add3A_580 = arith.addi %iota3A, %add3A_579 : vector<16xi32>
    %gather3A_581 = tpu.vector_load_idx %arg5[%add3A_580, %get3A_30] : memref<512x3xi32, #tpu.memory_space<vmem>>[vector<16xi32>, vector<16xi32>], vector<16xi32>,
    %add3A_582 = arith.constant 1 : i32
    %add3A_583 = vector.broadcast %add3A_582 : i32 to vector<16xi32>
    %add3A_584 = arith.addi %get3A_30, %add3A_583 : vector<16xi32>
    %gather3A_585 = tpu.vector_load_idx %arg5[%add3A_580, %add3A_584] : memref<512x3xi32, #tpu.memory_space<vmem>>[vector<16xi32>, vector<16xi32>], vector<16xi32>,
    %add3A_586 = arith.constant 2 : i32
    %add3A_587 = vector.broadcast %add3A_586 : i32 to vector<16xi32>
    %add3A_588 = arith.addi %get3A_30, %add3A_587 : vector<16xi32>
    %gather3A_589 = tpu.vector_load_idx %arg5[%add3A_580, %add3A_588] : memref<512x3xi32, #tpu.memory_space<vmem>>[vector<16xi32>, vector<16xi32>], vector<16xi32>,
    %mul3A_590 = arith.constant 36 : i32
    %mul3A_591 = vector.broadcast %mul3A_590 : i32 to vector<16xi32>
    %mul3A_592 = arith.muli %gather3A_581, %mul3A_591 : vector<16xi32>
    %mul3A_593 = arith.constant 6 : i32
    %mul3A_594 = vector.broadcast %mul3A_593 : i32 to vector<16xi32>
    %mul3A_595 = arith.muli %gather3A_585, %mul3A_594 : vector<16xi32>
    %add3A_596 = arith.addi %mul3A_592, %mul3A_595 : vector<16xi32>
    %add3A_597 = arith.addi %add3A_596, %gather3A_589 : vector<16xi32>
    %gather3A_598 = tpu.vector_load_idx %arg8[%add3A_597] : memref<256xf32, #tpu.memory_space<vmem>>[vector<16xi32>], vector<16xf32>,
    %add3A_599 = arith.addf %add3A_577, %gather3A_598 : vector<16xf32>
    %add3A_600 = arith.constant 192 : i32
    %add3A_601 = vector.broadcast %add3A_600 : i32 to vector<16xi32>
    %add3A_602 = arith.addi %iota3A, %add3A_601 : vector<16xi32>
    %gather3A_603 = tpu.vector_load_idx %arg5[%add3A_602, %get3A_30] : memref<512x3xi32, #tpu.memory_space<vmem>>[vector<16xi32>, vector<16xi32>], vector<16xi32>,
    %add3A_604 = arith.constant 1 : i32
    %add3A_605 = vector.broadcast %add3A_604 : i32 to vector<16xi32>
    %add3A_606 = arith.addi %get3A_30, %add3A_605 : vector<16xi32>
    %gather3A_607 = tpu.vector_load_idx %arg5[%add3A_602, %add3A_606] : memref<512x3xi32, #tpu.memory_space<vmem>>[vector<16xi32>, vector<16xi32>], vector<16xi32>,
    %add3A_608 = arith.constant 2 : i32
    %add3A_609 = vector.broadcast %add3A_608 : i32 to vector<16xi32>
    %add3A_610 = arith.addi %get3A_30, %add3A_609 : vector<16xi32>
    %gather3A_611 = tpu.vector_load_idx %arg5[%add3A_602, %add3A_610] : memref<512x3xi32, #tpu.memory_space<vmem>>[vector<16xi32>, vector<16xi32>], vector<16xi32>,
    %mul3A_612 = arith.constant 36 : i32
    %mul3A_613 = vector.broadcast %mul3A_612 : i32 to vector<16xi32>
    %mul3A_614 = arith.muli %gather3A_603, %mul3A_613 : vector<16xi32>
    %mul3A_615 = arith.constant 6 : i32
    %mul3A_616 = vector.broadcast %mul3A_615 : i32 to vector<16xi32>
    %mul3A_617 = arith.muli %gather3A_607, %mul3A_616 : vector<16xi32>
    %add3A_618 = arith.addi %mul3A_614, %mul3A_617 : vector<16xi32>
    %add3A_619 = arith.addi %add3A_618, %gather3A_611 : vector<16xi32>
    %gather3A_620 = tpu.vector_load_idx %arg8[%add3A_619] : memref<256xf32, #tpu.memory_space<vmem>>[vector<16xi32>], vector<16xf32>,
    %add3A_621 = arith.addf %add3A_599, %gather3A_620 : vector<16xf32>
    %add3A_622 = arith.constant 208 : i32
    %add3A_623 = vector.broadcast %add3A_622 : i32 to vector<16xi32>
    %add3A_624 = arith.addi %iota3A, %add3A_623 : vector<16xi32>
    %gather3A_625 = tpu.vector_load_idx %arg5[%add3A_624, %get3A_30] : memref<512x3xi32, #tpu.memory_space<vmem>>[vector<16xi32>, vector<16xi32>], vector<16xi32>,
    %add3A_626 = arith.constant 1 : i32
    %add3A_627 = vector.broadcast %add3A_626 : i32 to vector<16xi32>
    %add3A_628 = arith.addi %get3A_30, %add3A_627 : vector<16xi32>
    %gather3A_629 = tpu.vector_load_idx %arg5[%add3A_624, %add3A_628] : memref<512x3xi32, #tpu.memory_space<vmem>>[vector<16xi32>, vector<16xi32>], vector<16xi32>,
    %add3A_630 = arith.constant 2 : i32
    %add3A_631 = vector.broadcast %add3A_630 : i32 to vector<16xi32>
    %add3A_632 = arith.addi %get3A_30, %add3A_631 : vector<16xi32>
    %gather3A_633 = tpu.vector_load_idx %arg5[%add3A_624, %add3A_632] : memref<512x3xi32, #tpu.memory_space<vmem>>[vector<16xi32>, vector<16xi32>], vector<16xi32>,
    %mul3A_634 = arith.constant 36 : i32
    %mul3A_635 = vector.broadcast %mul3A_634 : i32 to vector<16xi32>
    %mul3A_636 = arith.muli %gather3A_625, %mul3A_635 : vector<16xi32>
    %mul3A_637 = arith.constant 6 : i32
    %mul3A_638 = vector.broadcast %mul3A_637 : i32 to vector<16xi32>
    %mul3A_639 = arith.muli %gather3A_629, %mul3A_638 : vector<16xi32>
    %add3A_640 = arith.addi %mul3A_636, %mul3A_639 : vector<16xi32>
    %add3A_641 = arith.addi %add3A_640, %gather3A_633 : vector<16xi32>
    %gather3A_642 = tpu.vector_load_idx %arg8[%add3A_641] : memref<256xf32, #tpu.memory_space<vmem>>[vector<16xi32>], vector<16xf32>,
    %add3A_643 = arith.addf %add3A_621, %gather3A_642 : vector<16xf32>
    %add3A_644 = arith.constant 224 : i32
    %add3A_645 = vector.broadcast %add3A_644 : i32 to vector<16xi32>
    %add3A_646 = arith.addi %iota3A, %add3A_645 : vector<16xi32>
    %gather3A_647 = tpu.vector_load_idx %arg5[%add3A_646, %get3A_30] : memref<512x3xi32, #tpu.memory_space<vmem>>[vector<16xi32>, vector<16xi32>], vector<16xi32>,
    %add3A_648 = arith.constant 1 : i32
    %add3A_649 = vector.broadcast %add3A_648 : i32 to vector<16xi32>
    %add3A_650 = arith.addi %get3A_30, %add3A_649 : vector<16xi32>
    %gather3A_651 = tpu.vector_load_idx %arg5[%add3A_646, %add3A_650] : memref<512x3xi32, #tpu.memory_space<vmem>>[vector<16xi32>, vector<16xi32>], vector<16xi32>,
    %add3A_652 = arith.constant 2 : i32
    %add3A_653 = vector.broadcast %add3A_652 : i32 to vector<16xi32>
    %add3A_654 = arith.addi %get3A_30, %add3A_653 : vector<16xi32>
    %gather3A_655 = tpu.vector_load_idx %arg5[%add3A_646, %add3A_654] : memref<512x3xi32, #tpu.memory_space<vmem>>[vector<16xi32>, vector<16xi32>], vector<16xi32>,
    %mul3A_656 = arith.constant 36 : i32
    %mul3A_657 = vector.broadcast %mul3A_656 : i32 to vector<16xi32>
    %mul3A_658 = arith.muli %gather3A_647, %mul3A_657 : vector<16xi32>
    %mul3A_659 = arith.constant 6 : i32
    %mul3A_660 = vector.broadcast %mul3A_659 : i32 to vector<16xi32>
    %mul3A_661 = arith.muli %gather3A_651, %mul3A_660 : vector<16xi32>
    %add3A_662 = arith.addi %mul3A_658, %mul3A_661 : vector<16xi32>
    %add3A_663 = arith.addi %add3A_662, %gather3A_655 : vector<16xi32>
    %gather3A_664 = tpu.vector_load_idx %arg8[%add3A_663] : memref<256xf32, #tpu.memory_space<vmem>>[vector<16xi32>], vector<16xf32>,
    %add3A_665 = arith.addf %add3A_643, %gather3A_664 : vector<16xf32>
    %add3A_666 = arith.constant 240 : i32
    %add3A_667 = vector.broadcast %add3A_666 : i32 to vector<16xi32>
    %add3A_668 = arith.addi %iota3A, %add3A_667 : vector<16xi32>
    %gather3A_669 = tpu.vector_load_idx %arg5[%add3A_668, %get3A_30] : memref<512x3xi32, #tpu.memory_space<vmem>>[vector<16xi32>, vector<16xi32>], vector<16xi32>,
    %add3A_670 = arith.constant 1 : i32
    %add3A_671 = vector.broadcast %add3A_670 : i32 to vector<16xi32>
    %add3A_672 = arith.addi %get3A_30, %add3A_671 : vector<16xi32>
    %gather3A_673 = tpu.vector_load_idx %arg5[%add3A_668, %add3A_672] : memref<512x3xi32, #tpu.memory_space<vmem>>[vector<16xi32>, vector<16xi32>], vector<16xi32>,
    %add3A_674 = arith.constant 2 : i32
    %add3A_675 = vector.broadcast %add3A_674 : i32 to vector<16xi32>
    %add3A_676 = arith.addi %get3A_30, %add3A_675 : vector<16xi32>
    %gather3A_677 = tpu.vector_load_idx %arg5[%add3A_668, %add3A_676] : memref<512x3xi32, #tpu.memory_space<vmem>>[vector<16xi32>, vector<16xi32>], vector<16xi32>,
    %mul3A_678 = arith.constant 36 : i32
    %mul3A_679 = vector.broadcast %mul3A_678 : i32 to vector<16xi32>
    %mul3A_680 = arith.muli %gather3A_669, %mul3A_679 : vector<16xi32>
    %mul3A_681 = arith.constant 6 : i32
    %mul3A_682 = vector.broadcast %mul3A_681 : i32 to vector<16xi32>
    %mul3A_683 = arith.muli %gather3A_673, %mul3A_682 : vector<16xi32>
    %add3A_684 = arith.addi %mul3A_680, %mul3A_683 : vector<16xi32>
    %add3A_685 = arith.addi %add3A_684, %gather3A_677 : vector<16xi32>
    %gather3A_686 = tpu.vector_load_idx %arg8[%add3A_685] : memref<256xf32, #tpu.memory_space<vmem>>[vector<16xi32>], vector<16xf32>,
    %add3A_687 = arith.addf %add3A_665, %gather3A_686 : vector<16xf32>
    %dma_wait3A_688 = arith.constant 256 : i32
    %dma_wait3A_689 = arith.constant 0 : i32
    %dma_wait3A_690 = tpu.memref_slice %arg5[%dma_wait3A_688, %dma_wait3A_689] : memref<512x3xi32, #tpu.memory_space<vmem>> -> memref<256x3xi32, #tpu.memory_space<vmem>>
    %dma_wait3A_691 = arith.constant 0 : i32
    %dma_wait3A_692 = tpu.memref_slice %arg2[%add3A_15, %dma_wait3A_691] : memref<16384x3xi32, #tpu.memory_space<hbm>> -> memref<256x3xi32, #tpu.memory_space<hbm>>
    %dma_wait3A_693 = arith.constant 256 : i32
    %dma_wait3A_694 = arith.constant 0 : i32
    %dma_wait3A_695 = tpu.memref_slice %arg5[%dma_wait3A_693, %dma_wait3A_694] : memref<512x3xi32, #tpu.memory_space<vmem>> -> memref<256x3xi32, #tpu.memory_space<vmem>>
    %dma_wait3A_696 = arith.constant 0 : i32
    %dma_wait3A_697 = tpu.memref_slice %arg2[%add3A_15, %dma_wait3A_696] : memref<16384x3xi32, #tpu.memory_space<hbm>> -> memref<256x3xi32, #tpu.memory_space<hbm>>
    tpu.wait_dma2 semaphore(%arg12 : memref<!tpu.dma_semaphore, #tpu.memory_space<semaphore_mem>>) src(%dma_wait3A_697 : memref<256x3xi32, #tpu.memory_space<hbm>>) dst(%dma_wait3A_695 : memref<256x3xi32, #tpu.memory_space<vmem>>)
    %add3A_698 = arith.constant 256 : i32
    %add3A_699 = vector.broadcast %add3A_698 : i32 to vector<16xi32>
    %add3A_700 = arith.addi %iota3A, %add3A_699 : vector<16xi32>
    %gather3A_701 = tpu.vector_load_idx %arg5[%add3A_700, %get3A_30] : memref<512x3xi32, #tpu.memory_space<vmem>>[vector<16xi32>, vector<16xi32>], vector<16xi32>,
    %add3A_702 = arith.constant 1 : i32
    %add3A_703 = vector.broadcast %add3A_702 : i32 to vector<16xi32>
    %add3A_704 = arith.addi %get3A_30, %add3A_703 : vector<16xi32>
    %gather3A_705 = tpu.vector_load_idx %arg5[%add3A_700, %add3A_704] : memref<512x3xi32, #tpu.memory_space<vmem>>[vector<16xi32>, vector<16xi32>], vector<16xi32>,
    %add3A_706 = arith.constant 2 : i32
    %add3A_707 = vector.broadcast %add3A_706 : i32 to vector<16xi32>
    %add3A_708 = arith.addi %get3A_30, %add3A_707 : vector<16xi32>
    %gather3A_709 = tpu.vector_load_idx %arg5[%add3A_700, %add3A_708] : memref<512x3xi32, #tpu.memory_space<vmem>>[vector<16xi32>, vector<16xi32>], vector<16xi32>,
    %mul3A_710 = arith.constant 36 : i32
    %mul3A_711 = vector.broadcast %mul3A_710 : i32 to vector<16xi32>
    %mul3A_712 = arith.muli %gather3A_701, %mul3A_711 : vector<16xi32>
    %mul3A_713 = arith.constant 6 : i32
    %mul3A_714 = vector.broadcast %mul3A_713 : i32 to vector<16xi32>
    %mul3A_715 = arith.muli %gather3A_705, %mul3A_714 : vector<16xi32>
    %add3A_716 = arith.addi %mul3A_712, %mul3A_715 : vector<16xi32>
    %add3A_717 = arith.addi %add3A_716, %gather3A_709 : vector<16xi32>
    %gather3A_718 = tpu.vector_load_idx %arg8[%add3A_717] : memref<256xf32, #tpu.memory_space<vmem>>[vector<16xi32>], vector<16xf32>,
    %add3A_719 = arith.addf %add3A_687, %gather3A_718 : vector<16xf32>
    %add3A_720 = arith.constant 272 : i32
    %add3A_721 = vector.broadcast %add3A_720 : i32 to vector<16xi32>
    %add3A_722 = arith.addi %iota3A, %add3A_721 : vector<16xi32>
    %gather3A_723 = tpu.vector_load_idx %arg5[%add3A_722, %get3A_30] : memref<512x3xi32, #tpu.memory_space<vmem>>[vector<16xi32>, vector<16xi32>], vector<16xi32>,
    %add3A_724 = arith.constant 1 : i32
    %add3A_725 = vector.broadcast %add3A_724 : i32 to vector<16xi32>
    %add3A_726 = arith.addi %get3A_30, %add3A_725 : vector<16xi32>
    %gather3A_727 = tpu.vector_load_idx %arg5[%add3A_722, %add3A_726] : memref<512x3xi32, #tpu.memory_space<vmem>>[vector<16xi32>, vector<16xi32>], vector<16xi32>,
    %add3A_728 = arith.constant 2 : i32
    %add3A_729 = vector.broadcast %add3A_728 : i32 to vector<16xi32>
    %add3A_730 = arith.addi %get3A_30, %add3A_729 : vector<16xi32>
    %gather3A_731 = tpu.vector_load_idx %arg5[%add3A_722, %add3A_730] : memref<512x3xi32, #tpu.memory_space<vmem>>[vector<16xi32>, vector<16xi32>], vector<16xi32>,
    %mul3A_732 = arith.constant 36 : i32
    %mul3A_733 = vector.broadcast %mul3A_732 : i32 to vector<16xi32>
    %mul3A_734 = arith.muli %gather3A_723, %mul3A_733 : vector<16xi32>
    %mul3A_735 = arith.constant 6 : i32
    %mul3A_736 = vector.broadcast %mul3A_735 : i32 to vector<16xi32>
    %mul3A_737 = arith.muli %gather3A_727, %mul3A_736 : vector<16xi32>
    %add3A_738 = arith.addi %mul3A_734, %mul3A_737 : vector<16xi32>
    %add3A_739 = arith.addi %add3A_738, %gather3A_731 : vector<16xi32>
    %gather3A_740 = tpu.vector_load_idx %arg8[%add3A_739] : memref<256xf32, #tpu.memory_space<vmem>>[vector<16xi32>], vector<16xf32>,
    %add3A_741 = arith.addf %add3A_719, %gather3A_740 : vector<16xf32>
    %add3A_742 = arith.constant 288 : i32
    %add3A_743 = vector.broadcast %add3A_742 : i32 to vector<16xi32>
    %add3A_744 = arith.addi %iota3A, %add3A_743 : vector<16xi32>
    %gather3A_745 = tpu.vector_load_idx %arg5[%add3A_744, %get3A_30] : memref<512x3xi32, #tpu.memory_space<vmem>>[vector<16xi32>, vector<16xi32>], vector<16xi32>,
    %add3A_746 = arith.constant 1 : i32
    %add3A_747 = vector.broadcast %add3A_746 : i32 to vector<16xi32>
    %add3A_748 = arith.addi %get3A_30, %add3A_747 : vector<16xi32>
    %gather3A_749 = tpu.vector_load_idx %arg5[%add3A_744, %add3A_748] : memref<512x3xi32, #tpu.memory_space<vmem>>[vector<16xi32>, vector<16xi32>], vector<16xi32>,
    %add3A_750 = arith.constant 2 : i32
    %add3A_751 = vector.broadcast %add3A_750 : i32 to vector<16xi32>
    %add3A_752 = arith.addi %get3A_30, %add3A_751 : vector<16xi32>
    %gather3A_753 = tpu.vector_load_idx %arg5[%add3A_744, %add3A_752] : memref<512x3xi32, #tpu.memory_space<vmem>>[vector<16xi32>, vector<16xi32>], vector<16xi32>,
    %mul3A_754 = arith.constant 36 : i32
    %mul3A_755 = vector.broadcast %mul3A_754 : i32 to vector<16xi32>
    %mul3A_756 = arith.muli %gather3A_745, %mul3A_755 : vector<16xi32>
    %mul3A_757 = arith.constant 6 : i32
    %mul3A_758 = vector.broadcast %mul3A_757 : i32 to vector<16xi32>
    %mul3A_759 = arith.muli %gather3A_749, %mul3A_758 : vector<16xi32>
    %add3A_760 = arith.addi %mul3A_756, %mul3A_759 : vector<16xi32>
    %add3A_761 = arith.addi %add3A_760, %gather3A_753 : vector<16xi32>
    %gather3A_762 = tpu.vector_load_idx %arg8[%add3A_761] : memref<256xf32, #tpu.memory_space<vmem>>[vector<16xi32>], vector<16xf32>,
    %add3A_763 = arith.addf %add3A_741, %gather3A_762 : vector<16xf32>
    %add3A_764 = arith.constant 304 : i32
    %add3A_765 = vector.broadcast %add3A_764 : i32 to vector<16xi32>
    %add3A_766 = arith.addi %iota3A, %add3A_765 : vector<16xi32>
    %gather3A_767 = tpu.vector_load_idx %arg5[%add3A_766, %get3A_30] : memref<512x3xi32, #tpu.memory_space<vmem>>[vector<16xi32>, vector<16xi32>], vector<16xi32>,
    %add3A_768 = arith.constant 1 : i32
    %add3A_769 = vector.broadcast %add3A_768 : i32 to vector<16xi32>
    %add3A_770 = arith.addi %get3A_30, %add3A_769 : vector<16xi32>
    %gather3A_771 = tpu.vector_load_idx %arg5[%add3A_766, %add3A_770] : memref<512x3xi32, #tpu.memory_space<vmem>>[vector<16xi32>, vector<16xi32>], vector<16xi32>,
    %add3A_772 = arith.constant 2 : i32
    %add3A_773 = vector.broadcast %add3A_772 : i32 to vector<16xi32>
    %add3A_774 = arith.addi %get3A_30, %add3A_773 : vector<16xi32>
    %gather3A_775 = tpu.vector_load_idx %arg5[%add3A_766, %add3A_774] : memref<512x3xi32, #tpu.memory_space<vmem>>[vector<16xi32>, vector<16xi32>], vector<16xi32>,
    %mul3A_776 = arith.constant 36 : i32
    %mul3A_777 = vector.broadcast %mul3A_776 : i32 to vector<16xi32>
    %mul3A_778 = arith.muli %gather3A_767, %mul3A_777 : vector<16xi32>
    %mul3A_779 = arith.constant 6 : i32
    %mul3A_780 = vector.broadcast %mul3A_779 : i32 to vector<16xi32>
    %mul3A_781 = arith.muli %gather3A_771, %mul3A_780 : vector<16xi32>
    %add3A_782 = arith.addi %mul3A_778, %mul3A_781 : vector<16xi32>
    %add3A_783 = arith.addi %add3A_782, %gather3A_775 : vector<16xi32>
    %gather3A_784 = tpu.vector_load_idx %arg8[%add3A_783] : memref<256xf32, #tpu.memory_space<vmem>>[vector<16xi32>], vector<16xf32>,
    %add3A_785 = arith.addf %add3A_763, %gather3A_784 : vector<16xf32>
    %add3A_786 = arith.constant 320 : i32
    %add3A_787 = vector.broadcast %add3A_786 : i32 to vector<16xi32>
    %add3A_788 = arith.addi %iota3A, %add3A_787 : vector<16xi32>
    %gather3A_789 = tpu.vector_load_idx %arg5[%add3A_788, %get3A_30] : memref<512x3xi32, #tpu.memory_space<vmem>>[vector<16xi32>, vector<16xi32>], vector<16xi32>,
    %add3A_790 = arith.constant 1 : i32
    %add3A_791 = vector.broadcast %add3A_790 : i32 to vector<16xi32>
    %add3A_792 = arith.addi %get3A_30, %add3A_791 : vector<16xi32>
    %gather3A_793 = tpu.vector_load_idx %arg5[%add3A_788, %add3A_792] : memref<512x3xi32, #tpu.memory_space<vmem>>[vector<16xi32>, vector<16xi32>], vector<16xi32>,
    %add3A_794 = arith.constant 2 : i32
    %add3A_795 = vector.broadcast %add3A_794 : i32 to vector<16xi32>
    %add3A_796 = arith.addi %get3A_30, %add3A_795 : vector<16xi32>
    %gather3A_797 = tpu.vector_load_idx %arg5[%add3A_788, %add3A_796] : memref<512x3xi32, #tpu.memory_space<vmem>>[vector<16xi32>, vector<16xi32>], vector<16xi32>,
    %mul3A_798 = arith.constant 36 : i32
    %mul3A_799 = vector.broadcast %mul3A_798 : i32 to vector<16xi32>
    %mul3A_800 = arith.muli %gather3A_789, %mul3A_799 : vector<16xi32>
    %mul3A_801 = arith.constant 6 : i32
    %mul3A_802 = vector.broadcast %mul3A_801 : i32 to vector<16xi32>
    %mul3A_803 = arith.muli %gather3A_793, %mul3A_802 : vector<16xi32>
    %add3A_804 = arith.addi %mul3A_800, %mul3A_803 : vector<16xi32>
    %add3A_805 = arith.addi %add3A_804, %gather3A_797 : vector<16xi32>
    %gather3A_806 = tpu.vector_load_idx %arg8[%add3A_805] : memref<256xf32, #tpu.memory_space<vmem>>[vector<16xi32>], vector<16xf32>,
    %add3A_807 = arith.addf %add3A_785, %gather3A_806 : vector<16xf32>
    %add3A_808 = arith.constant 336 : i32
    %add3A_809 = vector.broadcast %add3A_808 : i32 to vector<16xi32>
    %add3A_810 = arith.addi %iota3A, %add3A_809 : vector<16xi32>
    %gather3A_811 = tpu.vector_load_idx %arg5[%add3A_810, %get3A_30] : memref<512x3xi32, #tpu.memory_space<vmem>>[vector<16xi32>, vector<16xi32>], vector<16xi32>,
    %add3A_812 = arith.constant 1 : i32
    %add3A_813 = vector.broadcast %add3A_812 : i32 to vector<16xi32>
    %add3A_814 = arith.addi %get3A_30, %add3A_813 : vector<16xi32>
    %gather3A_815 = tpu.vector_load_idx %arg5[%add3A_810, %add3A_814] : memref<512x3xi32, #tpu.memory_space<vmem>>[vector<16xi32>, vector<16xi32>], vector<16xi32>,
    %add3A_816 = arith.constant 2 : i32
    %add3A_817 = vector.broadcast %add3A_816 : i32 to vector<16xi32>
    %add3A_818 = arith.addi %get3A_30, %add3A_817 : vector<16xi32>
    %gather3A_819 = tpu.vector_load_idx %arg5[%add3A_810, %add3A_818] : memref<512x3xi32, #tpu.memory_space<vmem>>[vector<16xi32>, vector<16xi32>], vector<16xi32>,
    %mul3A_820 = arith.constant 36 : i32
    %mul3A_821 = vector.broadcast %mul3A_820 : i32 to vector<16xi32>
    %mul3A_822 = arith.muli %gather3A_811, %mul3A_821 : vector<16xi32>
    %mul3A_823 = arith.constant 6 : i32
    %mul3A_824 = vector.broadcast %mul3A_823 : i32 to vector<16xi32>
    %mul3A_825 = arith.muli %gather3A_815, %mul3A_824 : vector<16xi32>
    %add3A_826 = arith.addi %mul3A_822, %mul3A_825 : vector<16xi32>
    %add3A_827 = arith.addi %add3A_826, %gather3A_819 : vector<16xi32>
    %gather3A_828 = tpu.vector_load_idx %arg8[%add3A_827] : memref<256xf32, #tpu.memory_space<vmem>>[vector<16xi32>], vector<16xf32>,
    %add3A_829 = arith.addf %add3A_807, %gather3A_828 : vector<16xf32>
    %add3A_830 = arith.constant 352 : i32
    %add3A_831 = vector.broadcast %add3A_830 : i32 to vector<16xi32>
    %add3A_832 = arith.addi %iota3A, %add3A_831 : vector<16xi32>
    %gather3A_833 = tpu.vector_load_idx %arg5[%add3A_832, %get3A_30] : memref<512x3xi32, #tpu.memory_space<vmem>>[vector<16xi32>, vector<16xi32>], vector<16xi32>,
    %add3A_834 = arith.constant 1 : i32
    %add3A_835 = vector.broadcast %add3A_834 : i32 to vector<16xi32>
    %add3A_836 = arith.addi %get3A_30, %add3A_835 : vector<16xi32>
    %gather3A_837 = tpu.vector_load_idx %arg5[%add3A_832, %add3A_836] : memref<512x3xi32, #tpu.memory_space<vmem>>[vector<16xi32>, vector<16xi32>], vector<16xi32>,
    %add3A_838 = arith.constant 2 : i32
    %add3A_839 = vector.broadcast %add3A_838 : i32 to vector<16xi32>
    %add3A_840 = arith.addi %get3A_30, %add3A_839 : vector<16xi32>
    %gather3A_841 = tpu.vector_load_idx %arg5[%add3A_832, %add3A_840] : memref<512x3xi32, #tpu.memory_space<vmem>>[vector<16xi32>, vector<16xi32>], vector<16xi32>,
    %mul3A_842 = arith.constant 36 : i32
    %mul3A_843 = vector.broadcast %mul3A_842 : i32 to vector<16xi32>
    %mul3A_844 = arith.muli %gather3A_833, %mul3A_843 : vector<16xi32>
    %mul3A_845 = arith.constant 6 : i32
    %mul3A_846 = vector.broadcast %mul3A_845 : i32 to vector<16xi32>
    %mul3A_847 = arith.muli %gather3A_837, %mul3A_846 : vector<16xi32>
    %add3A_848 = arith.addi %mul3A_844, %mul3A_847 : vector<16xi32>
    %add3A_849 = arith.addi %add3A_848, %gather3A_841 : vector<16xi32>
    %gather3A_850 = tpu.vector_load_idx %arg8[%add3A_849] : memref<256xf32, #tpu.memory_space<vmem>>[vector<16xi32>], vector<16xf32>,
    %add3A_851 = arith.addf %add3A_829, %gather3A_850 : vector<16xf32>
    %add3A_852 = arith.constant 368 : i32
    %add3A_853 = vector.broadcast %add3A_852 : i32 to vector<16xi32>
    %add3A_854 = arith.addi %iota3A, %add3A_853 : vector<16xi32>
    %gather3A_855 = tpu.vector_load_idx %arg5[%add3A_854, %get3A_30] : memref<512x3xi32, #tpu.memory_space<vmem>>[vector<16xi32>, vector<16xi32>], vector<16xi32>,
    %add3A_856 = arith.constant 1 : i32
    %add3A_857 = vector.broadcast %add3A_856 : i32 to vector<16xi32>
    %add3A_858 = arith.addi %get3A_30, %add3A_857 : vector<16xi32>
    %gather3A_859 = tpu.vector_load_idx %arg5[%add3A_854, %add3A_858] : memref<512x3xi32, #tpu.memory_space<vmem>>[vector<16xi32>, vector<16xi32>], vector<16xi32>,
    %add3A_860 = arith.constant 2 : i32
    %add3A_861 = vector.broadcast %add3A_860 : i32 to vector<16xi32>
    %add3A_862 = arith.addi %get3A_30, %add3A_861 : vector<16xi32>
    %gather3A_863 = tpu.vector_load_idx %arg5[%add3A_854, %add3A_862] : memref<512x3xi32, #tpu.memory_space<vmem>>[vector<16xi32>, vector<16xi32>], vector<16xi32>,
    %mul3A_864 = arith.constant 36 : i32
    %mul3A_865 = vector.broadcast %mul3A_864 : i32 to vector<16xi32>
    %mul3A_866 = arith.muli %gather3A_855, %mul3A_865 : vector<16xi32>
    %mul3A_867 = arith.constant 6 : i32
    %mul3A_868 = vector.broadcast %mul3A_867 : i32 to vector<16xi32>
    %mul3A_869 = arith.muli %gather3A_859, %mul3A_868 : vector<16xi32>
    %add3A_870 = arith.addi %mul3A_866, %mul3A_869 : vector<16xi32>
    %add3A_871 = arith.addi %add3A_870, %gather3A_863 : vector<16xi32>
    %gather3A_872 = tpu.vector_load_idx %arg8[%add3A_871] : memref<256xf32, #tpu.memory_space<vmem>>[vector<16xi32>], vector<16xf32>,
    %add3A_873 = arith.addf %add3A_851, %gather3A_872 : vector<16xf32>
    %add3A_874 = arith.constant 384 : i32
    %add3A_875 = vector.broadcast %add3A_874 : i32 to vector<16xi32>
    %add3A_876 = arith.addi %iota3A, %add3A_875 : vector<16xi32>
    %gather3A_877 = tpu.vector_load_idx %arg5[%add3A_876, %get3A_30] : memref<512x3xi32, #tpu.memory_space<vmem>>[vector<16xi32>, vector<16xi32>], vector<16xi32>,
    %add3A_878 = arith.constant 1 : i32
    %add3A_879 = vector.broadcast %add3A_878 : i32 to vector<16xi32>
    %add3A_880 = arith.addi %get3A_30, %add3A_879 : vector<16xi32>
    %gather3A_881 = tpu.vector_load_idx %arg5[%add3A_876, %add3A_880] : memref<512x3xi32, #tpu.memory_space<vmem>>[vector<16xi32>, vector<16xi32>], vector<16xi32>,
    %add3A_882 = arith.constant 2 : i32
    %add3A_883 = vector.broadcast %add3A_882 : i32 to vector<16xi32>
    %add3A_884 = arith.addi %get3A_30, %add3A_883 : vector<16xi32>
    %gather3A_885 = tpu.vector_load_idx %arg5[%add3A_876, %add3A_884] : memref<512x3xi32, #tpu.memory_space<vmem>>[vector<16xi32>, vector<16xi32>], vector<16xi32>,
    %mul3A_886 = arith.constant 36 : i32
    %mul3A_887 = vector.broadcast %mul3A_886 : i32 to vector<16xi32>
    %mul3A_888 = arith.muli %gather3A_877, %mul3A_887 : vector<16xi32>
    %mul3A_889 = arith.constant 6 : i32
    %mul3A_890 = vector.broadcast %mul3A_889 : i32 to vector<16xi32>
    %mul3A_891 = arith.muli %gather3A_881, %mul3A_890 : vector<16xi32>
    %add3A_892 = arith.addi %mul3A_888, %mul3A_891 : vector<16xi32>
    %add3A_893 = arith.addi %add3A_892, %gather3A_885 : vector<16xi32>
    %gather3A_894 = tpu.vector_load_idx %arg8[%add3A_893] : memref<256xf32, #tpu.memory_space<vmem>>[vector<16xi32>], vector<16xf32>,
    %add3A_895 = arith.addf %add3A_873, %gather3A_894 : vector<16xf32>
    %add3A_896 = arith.constant 400 : i32
    %add3A_897 = vector.broadcast %add3A_896 : i32 to vector<16xi32>
    %add3A_898 = arith.addi %iota3A, %add3A_897 : vector<16xi32>
    %gather3A_899 = tpu.vector_load_idx %arg5[%add3A_898, %get3A_30] : memref<512x3xi32, #tpu.memory_space<vmem>>[vector<16xi32>, vector<16xi32>], vector<16xi32>,
    %add3A_900 = arith.constant 1 : i32
    %add3A_901 = vector.broadcast %add3A_900 : i32 to vector<16xi32>
    %add3A_902 = arith.addi %get3A_30, %add3A_901 : vector<16xi32>
    %gather3A_903 = tpu.vector_load_idx %arg5[%add3A_898, %add3A_902] : memref<512x3xi32, #tpu.memory_space<vmem>>[vector<16xi32>, vector<16xi32>], vector<16xi32>,
    %add3A_904 = arith.constant 2 : i32
    %add3A_905 = vector.broadcast %add3A_904 : i32 to vector<16xi32>
    %add3A_906 = arith.addi %get3A_30, %add3A_905 : vector<16xi32>
    %gather3A_907 = tpu.vector_load_idx %arg5[%add3A_898, %add3A_906] : memref<512x3xi32, #tpu.memory_space<vmem>>[vector<16xi32>, vector<16xi32>], vector<16xi32>,
    %mul3A_908 = arith.constant 36 : i32
    %mul3A_909 = vector.broadcast %mul3A_908 : i32 to vector<16xi32>
    %mul3A_910 = arith.muli %gather3A_899, %mul3A_909 : vector<16xi32>
    %mul3A_911 = arith.constant 6 : i32
    %mul3A_912 = vector.broadcast %mul3A_911 : i32 to vector<16xi32>
    %mul3A_913 = arith.muli %gather3A_903, %mul3A_912 : vector<16xi32>
    %add3A_914 = arith.addi %mul3A_910, %mul3A_913 : vector<16xi32>
    %add3A_915 = arith.addi %add3A_914, %gather3A_907 : vector<16xi32>
    %gather3A_916 = tpu.vector_load_idx %arg8[%add3A_915] : memref<256xf32, #tpu.memory_space<vmem>>[vector<16xi32>], vector<16xf32>,
    %add3A_917 = arith.addf %add3A_895, %gather3A_916 : vector<16xf32>
    %add3A_918 = arith.constant 416 : i32
    %add3A_919 = vector.broadcast %add3A_918 : i32 to vector<16xi32>
    %add3A_920 = arith.addi %iota3A, %add3A_919 : vector<16xi32>
    %gather3A_921 = tpu.vector_load_idx %arg5[%add3A_920, %get3A_30] : memref<512x3xi32, #tpu.memory_space<vmem>>[vector<16xi32>, vector<16xi32>], vector<16xi32>,
    %add3A_922 = arith.constant 1 : i32
    %add3A_923 = vector.broadcast %add3A_922 : i32 to vector<16xi32>
    %add3A_924 = arith.addi %get3A_30, %add3A_923 : vector<16xi32>
    %gather3A_925 = tpu.vector_load_idx %arg5[%add3A_920, %add3A_924] : memref<512x3xi32, #tpu.memory_space<vmem>>[vector<16xi32>, vector<16xi32>], vector<16xi32>,
    %add3A_926 = arith.constant 2 : i32
    %add3A_927 = vector.broadcast %add3A_926 : i32 to vector<16xi32>
    %add3A_928 = arith.addi %get3A_30, %add3A_927 : vector<16xi32>
    %gather3A_929 = tpu.vector_load_idx %arg5[%add3A_920, %add3A_928] : memref<512x3xi32, #tpu.memory_space<vmem>>[vector<16xi32>, vector<16xi32>], vector<16xi32>,
    %mul3A_930 = arith.constant 36 : i32
    %mul3A_931 = vector.broadcast %mul3A_930 : i32 to vector<16xi32>
    %mul3A_932 = arith.muli %gather3A_921, %mul3A_931 : vector<16xi32>
    %mul3A_933 = arith.constant 6 : i32
    %mul3A_934 = vector.broadcast %mul3A_933 : i32 to vector<16xi32>
    %mul3A_935 = arith.muli %gather3A_925, %mul3A_934 : vector<16xi32>
    %add3A_936 = arith.addi %mul3A_932, %mul3A_935 : vector<16xi32>
    %add3A_937 = arith.addi %add3A_936, %gather3A_929 : vector<16xi32>
    %gather3A_938 = tpu.vector_load_idx %arg8[%add3A_937] : memref<256xf32, #tpu.memory_space<vmem>>[vector<16xi32>], vector<16xf32>,
    %add3A_939 = arith.addf %add3A_917, %gather3A_938 : vector<16xf32>
    %add3A_940 = arith.constant 432 : i32
    %add3A_941 = vector.broadcast %add3A_940 : i32 to vector<16xi32>
    %add3A_942 = arith.addi %iota3A, %add3A_941 : vector<16xi32>
    %gather3A_943 = tpu.vector_load_idx %arg5[%add3A_942, %get3A_30] : memref<512x3xi32, #tpu.memory_space<vmem>>[vector<16xi32>, vector<16xi32>], vector<16xi32>,
    %add3A_944 = arith.constant 1 : i32
    %add3A_945 = vector.broadcast %add3A_944 : i32 to vector<16xi32>
    %add3A_946 = arith.addi %get3A_30, %add3A_945 : vector<16xi32>
    %gather3A_947 = tpu.vector_load_idx %arg5[%add3A_942, %add3A_946] : memref<512x3xi32, #tpu.memory_space<vmem>>[vector<16xi32>, vector<16xi32>], vector<16xi32>,
    %add3A_948 = arith.constant 2 : i32
    %add3A_949 = vector.broadcast %add3A_948 : i32 to vector<16xi32>
    %add3A_950 = arith.addi %get3A_30, %add3A_949 : vector<16xi32>
    %gather3A_951 = tpu.vector_load_idx %arg5[%add3A_942, %add3A_950] : memref<512x3xi32, #tpu.memory_space<vmem>>[vector<16xi32>, vector<16xi32>], vector<16xi32>,
    %mul3A_952 = arith.constant 36 : i32
    %mul3A_953 = vector.broadcast %mul3A_952 : i32 to vector<16xi32>
    %mul3A_954 = arith.muli %gather3A_943, %mul3A_953 : vector<16xi32>
    %mul3A_955 = arith.constant 6 : i32
    %mul3A_956 = vector.broadcast %mul3A_955 : i32 to vector<16xi32>
    %mul3A_957 = arith.muli %gather3A_947, %mul3A_956 : vector<16xi32>
    %add3A_958 = arith.addi %mul3A_954, %mul3A_957 : vector<16xi32>
    %add3A_959 = arith.addi %add3A_958, %gather3A_951 : vector<16xi32>
    %gather3A_960 = tpu.vector_load_idx %arg8[%add3A_959] : memref<256xf32, #tpu.memory_space<vmem>>[vector<16xi32>], vector<16xf32>,
    %add3A_961 = arith.addf %add3A_939, %gather3A_960 : vector<16xf32>
    %add3A_962 = arith.constant 448 : i32
    %add3A_963 = vector.broadcast %add3A_962 : i32 to vector<16xi32>
    %add3A_964 = arith.addi %iota3A, %add3A_963 : vector<16xi32>
    %gather3A_965 = tpu.vector_load_idx %arg5[%add3A_964, %get3A_30] : memref<512x3xi32, #tpu.memory_space<vmem>>[vector<16xi32>, vector<16xi32>], vector<16xi32>,
    %add3A_966 = arith.constant 1 : i32
    %add3A_967 = vector.broadcast %add3A_966 : i32 to vector<16xi32>
    %add3A_968 = arith.addi %get3A_30, %add3A_967 : vector<16xi32>
    %gather3A_969 = tpu.vector_load_idx %arg5[%add3A_964, %add3A_968] : memref<512x3xi32, #tpu.memory_space<vmem>>[vector<16xi32>, vector<16xi32>], vector<16xi32>,
    %add3A_970 = arith.constant 2 : i32
    %add3A_971 = vector.broadcast %add3A_970 : i32 to vector<16xi32>
    %add3A_972 = arith.addi %get3A_30, %add3A_971 : vector<16xi32>
    %gather3A_973 = tpu.vector_load_idx %arg5[%add3A_964, %add3A_972] : memref<512x3xi32, #tpu.memory_space<vmem>>[vector<16xi32>, vector<16xi32>], vector<16xi32>,
    %mul3A_974 = arith.constant 36 : i32
    %mul3A_975 = vector.broadcast %mul3A_974 : i32 to vector<16xi32>
    %mul3A_976 = arith.muli %gather3A_965, %mul3A_975 : vector<16xi32>
    %mul3A_977 = arith.constant 6 : i32
    %mul3A_978 = vector.broadcast %mul3A_977 : i32 to vector<16xi32>
    %mul3A_979 = arith.muli %gather3A_969, %mul3A_978 : vector<16xi32>
    %add3A_980 = arith.addi %mul3A_976, %mul3A_979 : vector<16xi32>
    %add3A_981 = arith.addi %add3A_980, %gather3A_973 : vector<16xi32>
    %gather3A_982 = tpu.vector_load_idx %arg8[%add3A_981] : memref<256xf32, #tpu.memory_space<vmem>>[vector<16xi32>], vector<16xf32>,
    %add3A_983 = arith.addf %add3A_961, %gather3A_982 : vector<16xf32>
    %add3A_984 = arith.constant 464 : i32
    %add3A_985 = vector.broadcast %add3A_984 : i32 to vector<16xi32>
    %add3A_986 = arith.addi %iota3A, %add3A_985 : vector<16xi32>
    %gather3A_987 = tpu.vector_load_idx %arg5[%add3A_986, %get3A_30] : memref<512x3xi32, #tpu.memory_space<vmem>>[vector<16xi32>, vector<16xi32>], vector<16xi32>,
    %add3A_988 = arith.constant 1 : i32
    %add3A_989 = vector.broadcast %add3A_988 : i32 to vector<16xi32>
    %add3A_990 = arith.addi %get3A_30, %add3A_989 : vector<16xi32>
    %gather3A_991 = tpu.vector_load_idx %arg5[%add3A_986, %add3A_990] : memref<512x3xi32, #tpu.memory_space<vmem>>[vector<16xi32>, vector<16xi32>], vector<16xi32>,
    %add3A_992 = arith.constant 2 : i32
    %add3A_993 = vector.broadcast %add3A_992 : i32 to vector<16xi32>
    %add3A_994 = arith.addi %get3A_30, %add3A_993 : vector<16xi32>
    %gather3A_995 = tpu.vector_load_idx %arg5[%add3A_986, %add3A_994] : memref<512x3xi32, #tpu.memory_space<vmem>>[vector<16xi32>, vector<16xi32>], vector<16xi32>,
    %mul3A_996 = arith.constant 36 : i32
    %mul3A_997 = vector.broadcast %mul3A_996 : i32 to vector<16xi32>
    %mul3A_998 = arith.muli %gather3A_987, %mul3A_997 : vector<16xi32>
    %mul3A_999 = arith.constant 6 : i32
    %mul3A_1000 = vector.broadcast %mul3A_999 : i32 to vector<16xi32>
    %mul3A_1001 = arith.muli %gather3A_991, %mul3A_1000 : vector<16xi32>
    %add3A_1002 = arith.addi %mul3A_998, %mul3A_1001 : vector<16xi32>
    %add3A_1003 = arith.addi %add3A_1002, %gather3A_995 : vector<16xi32>
    %gather3A_1004 = tpu.vector_load_idx %arg8[%add3A_1003] : memref<256xf32, #tpu.memory_space<vmem>>[vector<16xi32>], vector<16xf32>,
    %add3A_1005 = arith.addf %add3A_983, %gather3A_1004 : vector<16xf32>
    %add3A_1006 = arith.constant 480 : i32
    %add3A_1007 = vector.broadcast %add3A_1006 : i32 to vector<16xi32>
    %add3A_1008 = arith.addi %iota3A, %add3A_1007 : vector<16xi32>
    %gather3A_1009 = tpu.vector_load_idx %arg5[%add3A_1008, %get3A_30] : memref<512x3xi32, #tpu.memory_space<vmem>>[vector<16xi32>, vector<16xi32>], vector<16xi32>,
    %add3A_1010 = arith.constant 1 : i32
    %add3A_1011 = vector.broadcast %add3A_1010 : i32 to vector<16xi32>
    %add3A_1012 = arith.addi %get3A_30, %add3A_1011 : vector<16xi32>
    %gather3A_1013 = tpu.vector_load_idx %arg5[%add3A_1008, %add3A_1012] : memref<512x3xi32, #tpu.memory_space<vmem>>[vector<16xi32>, vector<16xi32>], vector<16xi32>,
    %add3A_1014 = arith.constant 2 : i32
    %add3A_1015 = vector.broadcast %add3A_1014 : i32 to vector<16xi32>
    %add3A_1016 = arith.addi %get3A_30, %add3A_1015 : vector<16xi32>
    %gather3A_1017 = tpu.vector_load_idx %arg5[%add3A_1008, %add3A_1016] : memref<512x3xi32, #tpu.memory_space<vmem>>[vector<16xi32>, vector<16xi32>], vector<16xi32>,
    %mul3A_1018 = arith.constant 36 : i32
    %mul3A_1019 = vector.broadcast %mul3A_1018 : i32 to vector<16xi32>
    %mul3A_1020 = arith.muli %gather3A_1009, %mul3A_1019 : vector<16xi32>
    %mul3A_1021 = arith.constant 6 : i32
    %mul3A_1022 = vector.broadcast %mul3A_1021 : i32 to vector<16xi32>
    %mul3A_1023 = arith.muli %gather3A_1013, %mul3A_1022 : vector<16xi32>
    %add3A_1024 = arith.addi %mul3A_1020, %mul3A_1023 : vector<16xi32>
    %add3A_1025 = arith.addi %add3A_1024, %gather3A_1017 : vector<16xi32>
    %gather3A_1026 = tpu.vector_load_idx %arg8[%add3A_1025] : memref<256xf32, #tpu.memory_space<vmem>>[vector<16xi32>], vector<16xf32>,
    %add3A_1027 = arith.addf %add3A_1005, %gather3A_1026 : vector<16xf32>
    %add3A_1028 = arith.constant 496 : i32
    %add3A_1029 = vector.broadcast %add3A_1028 : i32 to vector<16xi32>
    %add3A_1030 = arith.addi %iota3A, %add3A_1029 : vector<16xi32>
    %gather3A_1031 = tpu.vector_load_idx %arg5[%add3A_1030, %get3A_30] : memref<512x3xi32, #tpu.memory_space<vmem>>[vector<16xi32>, vector<16xi32>], vector<16xi32>,
    %add3A_1032 = arith.constant 1 : i32
    %add3A_1033 = vector.broadcast %add3A_1032 : i32 to vector<16xi32>
    %add3A_1034 = arith.addi %get3A_30, %add3A_1033 : vector<16xi32>
    %gather3A_1035 = tpu.vector_load_idx %arg5[%add3A_1030, %add3A_1034] : memref<512x3xi32, #tpu.memory_space<vmem>>[vector<16xi32>, vector<16xi32>], vector<16xi32>,
    %add3A_1036 = arith.constant 2 : i32
    %add3A_1037 = vector.broadcast %add3A_1036 : i32 to vector<16xi32>
    %add3A_1038 = arith.addi %get3A_30, %add3A_1037 : vector<16xi32>
    %gather3A_1039 = tpu.vector_load_idx %arg5[%add3A_1030, %add3A_1038] : memref<512x3xi32, #tpu.memory_space<vmem>>[vector<16xi32>, vector<16xi32>], vector<16xi32>,
    %mul3A_1040 = arith.constant 36 : i32
    %mul3A_1041 = vector.broadcast %mul3A_1040 : i32 to vector<16xi32>
    %mul3A_1042 = arith.muli %gather3A_1031, %mul3A_1041 : vector<16xi32>
    %mul3A_1043 = arith.constant 6 : i32
    %mul3A_1044 = vector.broadcast %mul3A_1043 : i32 to vector<16xi32>
    %mul3A_1045 = arith.muli %gather3A_1035, %mul3A_1044 : vector<16xi32>
    %add3A_1046 = arith.addi %mul3A_1042, %mul3A_1045 : vector<16xi32>
    %add3A_1047 = arith.addi %add3A_1046, %gather3A_1039 : vector<16xi32>
    %gather3A_1048 = tpu.vector_load_idx %arg8[%add3A_1047] : memref<256xf32, #tpu.memory_space<vmem>>[vector<16xi32>], vector<16xf32>,
    %add3A_1049 = arith.addf %add3A_1027, %gather3A_1048 : vector<16xf32>
    %swap3A_1050 = arith.constant 0 : index
    %swap3A_1051 = tpu.vector_load %arg10[%swap3A_1050] {strides = array<i32>} : memref<16xf32, #tpu.memory_space<vmem>>, vector<16xf32>,
    tpu.vector_store %arg10[%swap3A_1050], %add3A_1049 {strides = array<i32>} : memref<16xf32, #tpu.memory_space<vmem>>, vector<16xf32>,
    %mul3A_1052 = arith.constant 16 : i32
    %mul3A_1053 = arith.muli %add3A, %mul3A_1052 : i32
    "tpu.region"() ({
      %run_scoped3A = tpu.sem_alloc : memref<!tpu.dma_semaphore, #tpu.memory_space<semaphore_mem>>
      %dma_start3A_1054 = tpu.memref_slice %arg4[%mul3A_1053] : memref<512xf32, #tpu.memory_space<hbm>> -> memref<16xf32, #tpu.memory_space<hbm>>
      %dma_start3A_1055 = tpu.memref_slice %arg4[%mul3A_1053] : memref<512xf32, #tpu.memory_space<hbm>> -> memref<16xf32, #tpu.memory_space<hbm>>
      tpu.enqueue_dma source(%arg10 : memref<16xf32, #tpu.memory_space<vmem>>) target(%dma_start3A_1055 : memref<16xf32, #tpu.memory_space<hbm>>) target_semaphore(%run_scoped3A : memref<!tpu.dma_semaphore, #tpu.memory_space<semaphore_mem>>)
      %dma_wait3A_1056 = tpu.memref_slice %arg4[%mul3A_1053] : memref<512xf32, #tpu.memory_space<hbm>> -> memref<16xf32, #tpu.memory_space<hbm>>
      %dma_wait3A_1057 = tpu.memref_slice %arg4[%mul3A_1053] : memref<512xf32, #tpu.memory_space<hbm>> -> memref<16xf32, #tpu.memory_space<hbm>>
      tpu.wait_dma2 semaphore(%run_scoped3A : memref<!tpu.dma_semaphore, #tpu.memory_space<semaphore_mem>>) src(%arg10 : memref<16xf32, #tpu.memory_space<vmem>>) dst(%dma_wait3A_1057 : memref<16xf32, #tpu.memory_space<hbm>>)
      tpu.yield
    }) : () -> ()
    return
  }
}

</mosaic_0001>

<sc_bundles>
// kernel: kernel.3.cloned.1.call-start
scs
__scs_entry_jumppad:
0x0: {  	(pc) =	sbr.rel $0x88, $3  }
0x1: {  	(tag) =	ssettag $0x0;
	lr =	simm.s32 $0x1  }
0x2: {  	[smem:$0x3F9F] =	sst lr;
	_ =	strace $0xD0000000  }
0x3: {  	_ = 	snop  }
0x4: {  	_ = 	snop  }
0x5: {  	_ = 	snop  }
0x6: {  	_ = 	snop  }
0x7: {  	_ = 	snop  }
__scs_overlays_trampoline_lowered:
0x8: {  	[smem:$0x3FAE] =	sst s0  }
0x9: {  	[smem:$0x3FAF] =	sst s1  }
0xa: {  	[smem:$0x3FB0] =	sst s2  }
0xb: {  	[smem:$0x3FB1] =	sst s3  }
0xc: {  	[smem:$0x3FB2] =	sst s4  }
0xd: {  	[smem:$0x3FB3] =	sst s5  }
0xe: {  	[smem:$0x3FB4] =	sst s6  }
0xf: {  	[smem:$0x3FB5] =	sst s7  }
0x10: {  	[smem:$0x3FB6] =	sst s8  }
0x11: {  	[smem:$0x3FB7] =	sst s9;
	s0 =	simm.s32 @!p0 $0x0  }
0x12: {  	s1 =	sld [smem:$0x3F9D];
	s0 =	simm.s32 @p0 $0x1  }
0x13: {  	[smem:$0x3FB8] =	sst s0;
	s0 =	simm.s32 @!p1 $0x0  }
0x14: {  	s2 =	sld [smem:$0x3F9C];
	s0 =	simm.s32 @p1 $0x1  }
0x15: {  	[smem:$0x3FB9] =	sst s0;
	s0 =	simm.s32 @!p2 $0x0  }
0x16: {  	s3 =	sld [smem:$0x3FDB];
	s0 =	simm.s32 @p2 $0x1  }
0x17: {  	s4 =	simm.s32 $0x1BF5;
	[smem:$0x3FBB] =	sst s0  }
0x18: {  	s0 =	sld [smem:$0x3F9E];
	_ =	swait.ge [sflag:s4], $0x0  }
0x19: {  	s7 =	sld [smem:$0x3F9F]  }
0x1a: {  	s8 =	sadd.s32 $0xFFFFE003, lr  }
0x1b: {  	s9 =	sadd.s32 $0xFFFFFEF7, lr;
	s5 =	simm.s32 $0xFFFFFFFF;
	p2 =	slt.u32 s8, $0xFFFFF086  }
0x1c: {  	p1 =	slt.u32 s9, $0xF7A;
	s5 =	simm.s32 @!p2 $0x0  }
0x1d: {  	s5 =	simm.s32 @p1 $0x1;
	p0 =	seq.s32 s7, s2  }
0x1e: {  	s7 =	smul.u32 @!p0 $0xF7A, s2;
	p2 =	seq.s32 @!p0 s5, $0x0  }
0x1f: {  	s9 =	smul.u32 $0xF7A, s1;
	s8 =	simm.s32 @!p0 $0x1BF5;
	p2 =	por !p2, p0  }
0x20: {  	[sflag:s8] =	ssyncset.s32 @!p0 $0xFFFFF086;
	s6 =	sadd.s32 @!p0 s3, s7;
	s7 =	simm.s32 @!p0 $0x108  }
0x21: {  	s3 =	sadd.s32 s3, s9;
	s6 =	sadd.s32 @!p0 $0x88, s6;
	s7 =	simm.s32 @p2 $0x1082  }
0x22: {  	[simem:s7], [sflag:s8] =	dma.local @!p0 [hbm:s6], $0xF7A  }
0x23: {  	s9 =	sor.u32 $0xD0000000, s2;
	s6 =	simm.s32 $0x108;
	_ =	swait.ge @!p0 [sflag:s8], $0x0  }
0x24: {  	s3 =	sadd.s32 $0x88, s3;
	s6 =	simm.s32 @!p1 $0x1082;
	[sflag:s4] =	ssyncset.s32 $0xFFFFF086  }
0x25: {  	[simem:s6], [sflag:s4] =	dma.local [hbm:s3], $0xF7A  }
0x26: {  	[smem:$0x3F9F] =	sst s1;
	(tag) =	ssettag s2;
	_ =	strace s9  }
0x27: {  	s1 =	sld [smem:$0x3FAF]  }
0x28: {  	s2 =	sld [smem:$0x3FB0]  }
0x29: {  	s4 =	sld [smem:$0x3FB2]  }
0x2a: {  	p0 =	seq.s32 s5, $0x0;
	s5 =	sld [smem:$0x3FB3]  }
0x2b: {  	s6 =	sld [smem:$0x3FB4]  }
0x2c: {  	s7 =	sld [smem:$0x3FB5]  }
0x2d: {  	s3 =	simm.s32 $0x108;
	s8 =	sld [smem:$0x3FB6]  }
0x2e: {  	s3 =	simm.s32 @!p0 $0x1082;
	s9 =	sld [smem:$0x3FB7]  }
0x2f: {  	lr =	sadd.s32 s0, s3;
	s0 =	sld [smem:$0x3FAE]  }
0x30: {  	s3 =	sld [smem:$0x3FB1]  }
0x31: {  	[smem:$0x3FBA] =	sst s10  }
0x32: {  	s10 =	sld [smem:$0x3FB8];
	_ =	sdelay $0x3  }
0x33: {  	p0 =	seq.s32 s10, $0x1;
	s10 =	sld [smem:$0x3FBA];
	_ =	sdelay $0x3  }
0x34: {  	[smem:$0x3FBA] =	sst s10  }
0x35: {  	s10 =	sld [smem:$0x3FB9];
	_ =	sdelay $0x3  }
0x36: {  	p1 =	seq.s32 s10, $0x1;
	s10 =	sld [smem:$0x3FBA];
	_ =	sdelay $0x3  }
0x37: {  	[smem:$0x3FBA] =	sst s10  }
0x38: {  	s10 =	sld [smem:$0x3FBB]  }
0x39: {  	_ = 	snop;
	(pc) =	sbr.ind lr, $3  }
0x3a: {  	_ = 	snop  }
0x3b: {  	_ = 	snop  }
0x3c: {  	p2 =	seq.s32 s10, $0x1;
	s10 =	sld [smem:$0x3FBA]  }
0x3d: {  	_ =	shalt  }
0x3e: {  	_ =	shalt  }
0x3f: {  	_ =	shalt  }
0x40: {  	_ =	shalt  }
0x41: {  	_ =	shalt  }
0x42: {  	_ =	shalt  }
0x43: {  	_ =	shalt  }
0x44: {  	_ =	shalt  }
0x45: {  	_ =	shalt  }
0x46: {  	_ =	shalt  }
0x47: {  	_ =	shalt  }
0x48: {  	_ =	shalt  }
0x49: {  	_ =	shalt  }
0x4a: {  	_ =	shalt  }
0x4b: {  	_ =	shalt  }
0x4c: {  	_ =	shalt  }
0x4d: {  	_ =	shalt  }
0x4e: {  	_ =	shalt  }
0x4f: {  	_ =	shalt  }
0x50: {  	_ =	shalt  }
0x51: {  	_ =	shalt  }
0x52: {  	_ =	shalt  }
0x53: {  	_ =	shalt  }
0x54: {  	_ =	shalt  }
0x55: {  	_ =	shalt  }
0x56: {  	_ =	shalt  }
0x57: {  	_ =	shalt  }
0x58: {  	_ =	shalt  }
0x59: {  	_ =	shalt  }
0x5a: {  	_ =	shalt  }
0x5b: {  	_ =	shalt  }
0x5c: {  	_ =	shalt  }
0x5d: {  	_ =	shalt  }
0x5e: {  	_ =	shalt  }
0x5f: {  	_ =	shalt  }
0x60: {  	_ =	shalt  }
0x61: {  	_ =	shalt  }
0x62: {  	_ =	shalt  }
0x63: {  	_ =	shalt  }
0x64: {  	_ =	shalt  }
0x65: {  	_ =	shalt  }
0x66: {  	_ =	shalt  }
0x67: {  	_ =	shalt  }
0x68: {  	_ =	shalt  }
0x69: {  	_ =	shalt  }
0x6a: {  	_ =	shalt  }
0x6b: {  	_ =	shalt  }
0x6c: {  	_ =	shalt  }
0x6d: {  	_ =	shalt  }
0x6e: {  	_ =	shalt  }
0x6f: {  	_ =	shalt  }
0x70: {  	_ =	shalt  }
0x71: {  	_ =	shalt  }
0x72: {  	_ =	shalt  }
0x73: {  	_ =	shalt  }
0x74: {  	_ =	shalt  }
0x75: {  	_ =	shalt  }
0x76: {  	_ =	shalt  }
0x77: {  	_ =	shalt  }
0x78: {  	_ =	shalt  }
0x79: {  	_ =	shalt  }
0x7a: {  	_ =	shalt  }
0x7b: {  	_ =	shalt  }
0x7c: {  	_ =	shalt  }
0x7d: {  	_ =	shalt  }
0x7e: {  	_ =	shalt  }
0x7f: {  	_ =	shalt  }
0x80: {  	_ =	shalt  }
0x81: {  	_ =	shalt  }
0x82: {  	_ =	shalt  }
0x83: {  	_ =	shalt  }
0x84: {  	_ =	shalt  }
0x85: {  	_ =	shalt  }
0x86: {  	_ =	shalt  }
0x87: {  	_ =	shalt  }
.Lfunc_end0:
.L_simem_size_0:
called_computation_lowered:
.L_overlay_start_0:
0x88: {  	s2 =	sld [smem:$0x3FD9]  }
0x89: {  	s3 =	sld [smem:$0x3FFE];
	_ =	sdelay $0x1  }
0x8a: {  	s1 =	srdreg.scid  }
0x8b: {  	s0 =	sand.u32 $0x1, s1  }
0x8c: {  	s17 =	sshll.u32 s0, $0xA;
	s2 =	sadd.s32 s3, s2  }
0x8d: {  	s2 =	sadd.s32 s2, s17  }
0x8e: {  	[smem:$0x3FC6] =	sst s2  }
0x8f: {  	_ = 	snop  }
0x90: {  	s2 =	sld [smem:$0x3FC8];
	(tm) =	ssettm $0x1  }
0x91: {  	s18 =	sld [smem:$0x3FFB];
	_ =	sdelay $0x3  }
0x92: {  	_ =	strace s18  }
0x93: {  	s3 =	sld [smem:$0x3FFC];
	_ =	sdelay $0x3  }
0x94: {  	_ =	strace s3  }
0x95: {  	s3 =	sld [smem:$0x3FFD];
	_ =	sdelay $0x3  }
0x96: {  	_ =	strace s3  }
0x97: {  	_ =	strace $0x8FFFFFFF  }
0x98: {  	s19 =	sld [smem:$0x3FDB];
	_ =	sdelay $0x1  }
0x99: {  	s4 =	simm.s32 $_scs_section_size  }
0x9a: {  	s5 =	simm.s32 $_size__tile_overlayer_lowered;
	s6 =	simm.s32 $_tile_overlayer_lowered  }
0x9b: {  	s22 =	simm.s32 $0x1BFF;
	s21 =	sshll.u32 s6, $0x1;
	s3 =	sadd.s32 s4, s19  }
0x9c: {  	s7 =	simm.s32 $0x0;
	s20 =	sshll.u32 s5, $0x1;
	s5 =	sadd.s32 s21, s3  }
0x9d: {  	[timem:s7], [sflag:s22] =	dma.local [hbm:s5], s20  }
0x9e: {  	_ =	swait.ge [sflag:s22], s20  }
0x9f: {  	s4 =	ssub.s32 $0x0, s20;
	[sflag:s22] =	ssyncset.done $0x0  }
0xa0: {  	[sflag:s22] =	ssyncadd.s32 s4;
	_ =	sdelay $0x1  }
0xa1: {  	s23 =	simm.s32 $0x1B8B  }
0xa2: {  	_ =	swait.ge [sflag:s23], $0x1  }
0xa3: {  	[sflag:s23] =	ssyncset.done $0x0  }
0xa4: {  	s25 =	simm.s32 $0x1B8E;
	s24 =	sld [smem:$0x3FFE];
	[sflag:s23] =	ssyncadd.s32 $0xFFFFFFFF  }
0xa5: {  	s26 =	simm.s32 $execute0_lowered;
	[smem:$0x3FD2] =	sst s25  }
0xa6: {  	s5 =	sshll.u32 s26, $0x1;
	_ =	strace $0x80000046;
	[dreg:$0x1] =	wrdreg $0xFFFFFFFF  }
0xa7: {  	s28 =	simm.s32 $_size_execute0_lowered;
	s3 =	sadd.s32 s3, s5;
	[dreg:$0x0] =	wrdreg $0x0  }
0xa8: {  	s5 =	sshll.u32 s28, $0x1;
	[dreg:$0x2] =	wrdreg s3  }
0xa9: {  	[dreg:$0x3] =	wrdreg s5  }
0xaa: {  	[dreg:$0x4] =	wrdreg $0xC0  }
0xab: {  	_ =	task [dreg:s7], $0x5FFFF  }
0xac: {  	[dreg:$0x1] =	wrdreg $0xFFFFFFFF  }
0xad: {  	[dreg:$0x0] =	wrdreg $0x60  }
0xae: {  	[dreg:$0x2] =	wrdreg s24  }
0xaf: {  	[dreg:$0x3] =	wrdreg s2  }
0xb0: {  	[dreg:$0x4] =	wrdreg $0x105800  }
0xb1: {  	[dreg:$0x5] =	wrdreg $0x9  }
0xb2: {  	_ =	task.clear_ibuf [dreg:s7], $0x6FFFF;
	_ =	strace $0x90000046  }
0xb3: {  	s29 =	simm.s32 $0x9;
	_ =	strace $0x80000048  }
0xb4: {  	_ =	swait.ge [sflag:s29], $0x1  }
0xb5: {  	[sflag:s29] =	ssyncadd.s32 $0xFFFFFFFF  }
0xb6: {  	_ =	strace $0x90000048  }
0xb7: {  	_ =	sfence  }
0xb8: {  	s30 =	sld [smem:$0x0];
	_ =	sdelay $0x2  }
0xb9: {  	s31 =	sshll.u32 s1, $0xD;
	s1 =	sshrl.u32 s1, $0x2  }
0xba: {  	s3 =	sand.u32 $0x4000, s31;
	s1 =	sadd.s32 s1, s30  }
0xbb: {  	s0 =	sor.u32 s3, s0;
	s1 =	sshll.u32 s1, $0x11  }
0xbc: {  	s0 =	sor.u32 s1, s0  }
0xbd: {  	s0 =	sadd.s32 $0x8F2B, s0  }
0xbe: {  	[sflag:s0] =	ssyncadd.remote.s32 $0x1  }
0xbf: {  	_ =	sfence.sel $0xFFFF  }
0xc0: {  	[dreg:$0x0] =	wrdreg $0xFFFFFFFF;
	(pc) =	sbr.abs _section_cstart, $3  }
0xc1: {  	[dreg:$0x1] =	wrdreg $0xFFFFFFFF  }
0xc2: {  	_ =	task.clear_ibuf [dreg:s7], $0x2FFFF;
	_ =	strace $0x9FFFFFFF  }
0xc3: {  	(tm) =	ssettm $0x7FFFFFFF  }
tec
execute0_lowered:
.L_overlay_start_1:
0x0: {  	(tag) =	ssettag $0x1  }
0x1: {  	s0 =	stileid.u32  }
0x2: {  	s7 =	sshll.u32 s0, $0x4  }
0x3: {  	v0 =	vmov s7  }
0x4: {  	v0 =	vbroadcast v0, $0x0  }
0x5: {  	v11 =	vlaneseq.u32  }
0x6: {  	v1 =	vor.u32 v11, v0  }
0x7: {  	vm0 =	vlt.s32 v1, $0xD7  }
0x8: {  	v2 =	vnsel vm0, $0xD7, v1  }
0x9: {  	v1 =	vmulhi.u32 $0x38E38E39, v2;
	_ =	sdelay $0x1  }
0xa: {  	v1 =	vshrl.u32 v1, $0x3  }
0xb: {  	v3 =	vmul.u32 $0xFFFFFFDC, v1  }
0xc: {  	v4 =	vsub.s32 $0x0, v2  }
0xd: {  	vm8 =	veq.s32 v0, v11;
	vm1 =	vne.s32 v3, v4  }
0xe: {  	v0 =	vimm.s32 $0x0;
	vm0 =	vmand vm8, vm1  }
0xf: {  	s5 =	rddreg [dreg:$0x0];
	v3 =	vsel vm0, $0xFFFFFFFF, v0  }
0x10: {  	s2 =	rddreg [dreg:$0x1];
	v1 =	vadd.s32 v3, v1  }
0x11: {  	s3 =	rddreg [dreg:$0x2];
	s4 =	simm.s32 $0x0;
	v3 =	vmul.u32 $0xFFFFFFDC, v1  }
0x12: {  	[smem:$0x7FF] =	sst s4  }
0x13: {  	s1 =	rddreg [dreg:$0x3];
	_ =	strace $0x80000047;
	v3 =	vadd.s32 v2, v3  }
0x14: {  	(v2sf) =	vpush v3, $0xD;
	_ =	sdelay $0x1  }
0x15: {  	(v2sf) =	vpush v3, $0xC;
	_ =	sdelay $0x1  }
0x16: {  	(v2sf) =	vpush v3, $0xE;
	_ =	sdelay $0x1  }
0x17: {  	(v2sf) =	vpush v3, $0xF;
	_ =	sdelay $0x1  }
0x18: {  	(v2sf) =	vpush v3, $0x9;
	_ =	sdelay $0x1  }
0x19: {  	(v2sf) =	vpush v3, $0x8;
	_ =	sdelay $0x1  }
0x1a: {  	(v2sf) =	vpush v3, $0xA;
	_ =	sdelay $0x1  }
0x1b: {  	(v2sf) =	vpush v3, $0xB  }
0x1c: {  	s6 =	spop (v2sf)  }
0x1d: {  	(v2sf) =	vpush v3, $0x1;
	s8 =	smulhi.u32 $0x2AAAAAAB, s6;
	s6 =	sshra.s32 s6, $0x1F  }
0x1e: {  	(v2sf) =	vpush v3, $0x0;
	s9 =	spop (v2sf);
	s6 =	smul.u32 $0x2AAAAAAB, s6  }
0x1f: {  	s10 =	smulhi.u32 $0x2AAAAAAB, s9;
	s9 =	sshra.s32 s9, $0x1F  }
0x20: {  	s11 =	spop (v2sf);
	s9 =	smul.u32 $0x2AAAAAAB, s9  }
0x21: {  	s12 =	smulhi.u32 $0x2AAAAAAB, s11;
	s11 =	sshra.s32 s11, $0x1F  }
0x22: {  	(v2sf) =	vpush v3, $0x2;
	s13 =	spop (v2sf);
	s11 =	smul.u32 $0x2AAAAAAB, s11  }
0x23: {  	s14 =	smulhi.u32 $0x2AAAAAAB, s13;
	s13 =	sshra.s32 s13, $0x1F  }
0x24: {  	(v2sf) =	vpush v3, $0x3;
	s15 =	spop (v2sf);
	s13 =	smul.u32 $0x2AAAAAAB, s13  }
0x25: {  	s16 =	smulhi.u32 $0x2AAAAAAB, s15;
	s15 =	sshra.s32 s15, $0x1F  }
0x26: {  	(v2sf) =	vpush v3, $0x4;
	s17 =	spop (v2sf);
	s15 =	smul.u32 $0x2AAAAAAB, s15  }
0x27: {  	s18 =	smulhi.u32 $0x2AAAAAAB, s17;
	s17 =	sshra.s32 s17, $0x1F  }
0x28: {  	(v2sf) =	vpush v3, $0x5;
	s19 =	spop (v2sf);
	s17 =	smul.u32 $0x2AAAAAAB, s17  }
0x29: {  	s23 =	sadd.s32 s6, s8;
	s20 =	smulhi.u32 $0x2AAAAAAB, s19;
	s19 =	sshra.s32 s19, $0x1F  }
0x2a: {  	(v2sf) =	vpush v3, $0x6;
	s8 =	sadd.s32 s11, s12;
	s21 =	spop (v2sf);
	s19 =	smul.u32 $0x2AAAAAAB, s19  }
0x2b: {  	s6 =	sadd.s32 s13, s14;
	s24 =	smulhi.u32 $0x2AAAAAAB, s21;
	s25 =	sshra.s32 s21, $0x1F  }
0x2c: {  	s22 =	spop (v2sf);
	s21 =	sadd.s32 s9, s10;
	s9 =	smul.u32 $0x2AAAAAAB, s25  }
0x2d: {  	s12 =	smulhi.u32 $0x2AAAAAAB, s22;
	s26 =	sshra.s32 s22, $0x1F;
	s25 =	spop (v2sf);
	(v2sf) =	vpush v3, $0x7  }
0x2e: {  	s10 =	sadd.s32 s15, s16;
	s16 =	sadd.s32 s17, s18;
	s29 =	smul.u32 $0x2AAAAAAB, s26  }
0x2f: {  	s11 =	sadd.s32 s19, s20;
	v4 =	vmov s16;
	s16 =	sshrl.u32 s16, $0x1F;
	s9 =	sadd.s32 s9, s24  }
0x30: {  	vm9 =	vcmask $0xB08;
	v2 =	vmov s21;
	s24 =	sshrl.u32 s23, $0x1F;
	s30 =	smulhi.u32 $0x2AAAAAAB, s25;
	s31 =	sshra.s32 s25, $0x1F  }
0x31: {  	vm10 =	vcmask $0x1310;
	v2 =	vsel vm9, s23, v2;
	v4 =	vsel vm9, s10, v4;
	s10 =	sshrl.u32 s10, $0x1F;
	s28 =	spop (v2sf);
	s22 =	smul.u32 $0x2AAAAAAB, s31  }
0x32: {  	vm3 =	vcmask $0x1B18;
	v2 =	vsel vm10, s8, v2;
	s8 =	sshrl.u32 s8, $0x1F;
	s25 =	smulhi.u32 $0x2AAAAAAB, s28;
	s13 =	sshra.s32 s28, $0x1F  }
0x33: {  	vm2 =	vcmask $0x300;
	vm4 =	vcmask $0x2320;
	vm5 =	vcmask $0x2B28;
	s12 =	sadd.s32 s29, s12;
	s18 =	spop (v2sf);
	s13 =	smul.u32 $0x2AAAAAAB, s13  }
0x34: {  	vm6 =	vcmask $0x3330;
	vm7 =	vcmask $0x3B38;
	vm11 =	vmmov $0xff;
	s29 =	sshrl.u32 s21, $0x1F;
	s28 =	smulhi.u32 $0x2AAAAAAB, s18;
	s17 =	sshra.s32 s18, $0x1F  }
0x35: {  	vm14 =	vcmask $0x704;
	vm15 =	vcmask $0xF0C;
	v2 =	vsel vm3, s6, v2;
	s6 =	sshrl.u32 s6, $0x1F;
	s26 =	spop (v2sf);
	s17 =	smul.u32 $0x2AAAAAAB, s17  }
0x36: {  	v61 =	vimm.s32 $0x281;
	v62 =	vimm.s32 $0x282;
	v63 =	vimm.s32 $0x283;
	s15 =	sadd.s32 s22, s30;
	s31 =	smulhi.u32 $0x2AAAAAAB, s26;
	s20 =	sshra.s32 s26, $0x1F  }
0x37: {  	v9 =	vmul.u32 $0x2, v11;
	v7 =	vmov s16;
	v4 =	vsel vm10, s11, v4;
	s30 =	spop (v2sf);
	s22 =	sshrl.u32 s9, $0x1F;
	s20 =	smul.u32 $0x2AAAAAAB, s20  }
0x38: {  	v7 =	vsel vm9, s10, v7;
	v5 =	vmov s29;
	v4 =	vsel vm3, s9, v4;
	s13 =	sadd.s32 s13, s25;
	s25 =	smulhi.u32 $0x2AAAAAAB, s30;
	s21 =	sshra.s32 s30, $0x1F  }
0x39: {  	v5 =	vsel vm9, s24, v5;
	v2 =	vcombine.low v4, v2;
	v6 =	vmov s15;
	s26 =	spop (v2sf);
	s15 =	sshrl.u32 s15, $0x1F;
	s21 =	smul.u32 $0x2AAAAAAB, s21  }
0x3a: {  	v4 =	vimm.s32 $0xECA86420;
	v6 =	vnsel vm2, $0x0, v6;
	s14 =	sadd.s32 s17, s28;
	v8 =	vmov s15;
	s28 =	smulhi.u32 $0x2AAAAAAB, s26;
	s16 =	sshra.s32 s26, $0x1F  }
0x3b: {  	v4 =	vunpack.c.l.s4.s8 v4;
	v6 =	vsel vm9, s12, v6;
	s29 =	sadd.s32 s20, s31;
	s16 =	smul.u32 $0x2AAAAAAB, s16;
	v8 =	vnsel vm2, $0x0, v8;
	s12 =	sshrl.u32 s12, $0x1F  }
0x3c: {  	v5 =	vsel vm10, s8, v5;
	s20 =	sshrl.u32 s11, $0x1F;
	v6 =	vsel vm10, s13, v6;
	v8 =	vsel vm9, s12, v8;
	s13 =	sshrl.u32 s13, $0x1F;
	s31 =	spop (v2sf)  }
0x3d: {  	v5 =	vsel vm3, s6, v5;
	v6 =	vsel vm3, s14, v6;
	v8 =	vsel vm10, s13, v8;
	s14 =	sshrl.u32 s14, $0x1F;
	s19 =	smulhi.u32 $0x2AAAAAAB, s31;
	s12 =	sshra.s32 s31, $0x1F  }
0x3e: {  	v4 =	vunpack.c.0.s8.s32 v4;
	s30 =	sadd.s32 s21, s25;
	s21 =	sshrl.u32 s29, $0x1F;
	v7 =	vsel vm10, s20, v7;
	v8 =	vsel vm3, s14, v8;
	s12 =	smul.u32 $0x2AAAAAAB, s12  }
0x3f: {  	s15 =	sadd.s32 s16, s28;
	s23 =	sshrl.u32 s30, $0x1F;
	v7 =	vsel vm3, s22, v7;
	v6 =	vsel vm4, s29, v6;
	v8 =	vsel vm4, s21, v8  }
0x40: {  	s25 =	sshrl.u32 s15, $0x1F;
	v5 =	vcombine.low v7, v5;
	v6 =	vsel vm5, s30, v6;
	v8 =	vsel vm5, s23, v8;
	s24 =	sadd.s32 s12, s19  }
0x41: {  	v2 =	vperm.xlane v2, v4;
	v6 =	vsel vm6, s15, v6;
	v60 =	vsel vm6, s25, v8;
	s26 =	sshrl.u32 s24, $0x1F  }
0x42: {  	v4 =	vperm.xlane v5, v4;
	v6 =	vsel vm7, s24, v6;
	v7 =	vsel vm7, s26, v60  }
0x43: {  	v10 =	vimm.s32 $0x286;
	v6 =	vperm.xlane v6, v9;
	v5 =	vperm.xlane v7, v9  }
0x44: {  	v12 =	vimm.s32 $0x287;
	v13 =	vimm.s32 $0x288;
	v14 =	vimm.s32 $0x289  }
0x45: {  	v10 =	vsel vm2, $0x6, v10;
	v2 =	vsel vm11, v6, v2;
	v4 =	vsel vm11, v5, v4  }
0x46: {  	v12 =	vsel vm2, $0x7, v12;
	v13 =	vsel vm2, $0x8, v13;
	v2 =	vadd.s32 v4, v2  }
0x47: {  	v14 =	vsel vm2, $0x9, v14;
	v10 =	vsel vm14, $0x86, v10;
	v4 =	vmul.u32 $0xFFFFFFFA, v2  }
0x48: {  	v12 =	vsel vm14, $0x87, v12;
	v13 =	vsel vm14, $0x88, v13;
	v5 =	vsub.s32 $0x0, v3  }
0x49: {  	vm12 =	vlt.s32 v3, $0x1;
	v8 =	vimm.s32 $0x284;
	vm13 =	vne.s32 v4, v5  }
0x4a: {  	v14 =	vsel vm14, $0x89, v14;
	v8 =	vsel vm2, $0x4, v8;
	vm3 =	vmand vm12, vm13  }
0x4b: {  	v10 =	vsel vm9, $0x106, v10;
	v8 =	vsel vm14, $0x84, v8;
	v5 =	vsel vm3, $0xFFFFFFFF, v0  }
0x4c: {  	v8 =	vsel vm9, $0x104, v8;
	v7 =	vsel vm2, $0x3, v63;
	v2 =	vadd.s32 v5, v2  }
0x4d: {  	v9 =	vimm.s32 $0x285;
	v4 =	vimm.s32 $0x280;
	v5 =	vmul.u32 $0xFFFFFFFA, v2  }
0x4e: {  	v6 =	vsel vm2, $0x2, v62;
	v7 =	vsel vm14, $0x83, v7;
	v4 =	vsel vm2, $0x0, v4  }
0x4f: {  	v4 =	vsel vm14, $0x80, v4;
	v3 =	vadd.s32 v3, v5;
	v5 =	vsel vm2, $0x1, v61  }
0x50: {  	v9 =	vsel vm2, $0x5, v9;
	v4 =	vsel vm9, $0x100, v4;
	v5 =	vsel vm14, $0x81, v5  }
0x51: {  	v6 =	vsel vm14, $0x82, v6;
	v4 =	vsel vm15, $0x180, v4;
	v5 =	vsel vm9, $0x101, v5  }
0x52: {  	v6 =	vsel vm9, $0x102, v6;
	v0 =	vsel vm10, $0x200, v4;
	v5 =	vsel vm15, $0x181, v5  }
0x53: {  	v7 =	vsel vm9, $0x103, v7;
	v6 =	vsel vm15, $0x182, v6;
	[tilespmem:$0x1FEA0] =	vst v0;
	v0 =	vsel vm10, $0x201, v5  }
0x54: {  	v9 =	vsel vm14, $0x85, v9;
	v7 =	vsel vm15, $0x183, v7;
	[tilespmem:$0x1FEB0] =	vst v0;
	v0 =	vsel vm10, $0x202, v6  }
0x55: {  	v8 =	vsel vm15, $0x184, v8;
	v9 =	vsel vm9, $0x105, v9;
	[tilespmem:$0x1FEC0] =	vst v0;
	v0 =	vsel vm10, $0x203, v7  }
0x56: {  	v12 =	vsel vm9, $0x107, v12;
	v9 =	vsel vm15, $0x185, v9;
	[tilespmem:$0x1FED0] =	vst v0;
	v0 =	vsel vm10, $0x204, v8  }
0x57: {  	v13 =	vsel vm9, $0x108, v13;
	v10 =	vsel vm15, $0x186, v10;
	[tilespmem:$0x1FEE0] =	vst v0;
	v0 =	vsel vm10, $0x205, v9  }
0x58: {  	v14 =	vsel vm9, $0x109, v14;
	v12 =	vsel vm15, $0x187, v12;
	[tilespmem:$0x1FEF0] =	vst v0;
	v0 =	vsel vm10, $0x206, v10  }
0x59: {  	v13 =	vsel vm15, $0x188, v13;
	v11 =	vmul.u32 $0x80, v11;
	[tilespmem:$0x1FF00] =	vst v0;
	v0 =	vsel vm10, $0x207, v12  }
0x5a: {  	v14 =	vsel vm15, $0x189, v14;
	[tilespmem:$0x1FF10] =	vst v0;
	v0 =	vsel vm10, $0x208, v13  }
0x5b: {  	v27 =	vor.u32 $0x2001, v11;
	[tilespmem:$0x1FF20] =	vst v0;
	v0 =	vsel vm10, $0x209, v14  }
0x5c: {  	v28 =	vor.u32 $0x2002, v11;
	v29 =	vor.u32 $0x2800, v11;
	[tilespmem:$0x1FF30] =	vst v0;
	v0 =	vor.u32 $0x1, v11  }
0x5d: {  	v30 =	vor.u32 $0x2801, v11;
	v31 =	vor.u32 $0x2802, v11;
	[tilespmem:$0x1FF40] =	vst v0;
	v0 =	vor.u32 $0x2, v11  }
0x5e: {  	v32 =	vor.u32 $0x3000, v11;
	v33 =	vor.u32 $0x3001, v11;
	[tilespmem:$0x1FF50] =	vst v0;
	v0 =	vor.u32 $0x800, v11  }
0x5f: {  	v34 =	vor.u32 $0x3002, v11;
	v35 =	vor.u32 $0x3800, v11;
	[tilespmem:$0x1FF60] =	vst v0;
	v0 =	vor.u32 $0x801, v11  }
0x60: {  	v36 =	vor.u32 $0x3801, v11;
	v37 =	vor.u32 $0x3802, v11;
	[tilespmem:$0x1FF70] =	vst v0;
	v0 =	vor.u32 $0x802, v11  }
0x61: {  	s7 =	sadd.s32 s7, s3;
	v38 =	vor.u32 $0x4000, v11;
	v39 =	vor.u32 $0x4001, v11;
	s17 =	simm.s32 $0x2;
	[tilespmem:$0x1FF80] =	vst v0;
	v0 =	vor.u32 $0x1000, v11  }
0x62: {  	v40 =	vor.u32 $0x4002, v11;
	v41 =	vor.u32 $0x4800, v11;
	s11 =	simm.s32 $0x10080;
	s28 =	srdreg.scid;
	s13 =	simm.s32 $0x10590;
	[tilespmem:$0x1FF90] =	vst v0;
	v0 =	vor.u32 $0x1001, v11  }
0x63: {  	v42 =	vor.u32 $0x4801, v11;
	v43 =	vor.u32 $0x4802, v11;
	s16 =	simm.s32 $0x1;
	s6 =	sand.u32 $0x1, s28;
	s29 =	sshll.u32 s0, $0x1;
	[tilespmem:$0x1FFA0] =	vst v0;
	v0 =	vor.u32 $0x1002, v11  }
0x64: {  	v44 =	vor.u32 $0x5000, v11;
	v45 =	vor.u32 $0x5001, v11;
	s14 =	simm.s32 $0x4;
	s8 =	sor.u32 s6, s29;
	s6 =	ssub.s32 $0x2, s6;
	[tilespmem:$0x1FFB0] =	vst v0;
	v0 =	vor.u32 $0x1800, v11  }
0x65: {  	v46 =	vor.u32 $0x5002, v11;
	v47 =	vor.u32 $0x5800, v11;
	s30 =	sshll.u32 s8, $0x1;
	s8 =	sshll.u32 s8, $0xD;
	s15 =	simm.s32 $0x10480;
	[tilespmem:$0x1FFC0] =	vst v0;
	v0 =	vor.u32 $0x1801, v11  }
0x66: {  	v48 =	vor.u32 $0x5801, v11;
	v49 =	vor.u32 $0x5802, v11;
	s9 =	sadd.s32 s30, s5;
	s5 =	sadd.s32 s5, s8;
	s31 =	sshrl.u32 s6, $0x1;
	[tilespmem:$0x1FFD0] =	vst v0;
	v0 =	vor.u32 $0x1802, v11  }
0x67: {  	v50 =	vor.u32 $0x6000, v11;
	v51 =	vor.u32 $0x6001, v11;
	s8 =	sadd.s32 $0x40000, s9;
	s10 =	ssub.s32 s6, s31;
	s6 =	sadd.s32 $0x1000, s5;
	[tilespmem:$0x1FFE0] =	vst v0;
	v0 =	vor.u32 $0x2000, v11  }
0x68: {  	v52 =	vor.u32 $0x6002, v11;
	v53 =	vor.u32 $0x6800, v11;
	v54 =	vor.u32 $0x6801, v11;
	s9 =	smax.u32 s10, $0x1;
	s10 =	simm.s32 $0x8000;
	s12 =	simm.s32 $0x3;
	[tilespmem:$0x1FFF0] =	vst v0  }
.LBB2_1:
0x69: {  	[tilespmem:s4], [sflag:$0x1] =	stream.linear.gather [hbm4b:s5+s4], $0x8000, $0x38;
	[tilespmem:$0x10610] =	vst v63  }
0x6a: {  	_ = 	snop  }
0x6b: {  	[tilespmem:s10], [sflag:$0x2] =	stream.linear.gather [hbm4b:s6+s4], $0x8000, $0x38;
	[tilespmem:$0x10610] =	vst v63  }
0x6c: {  	_ = 	snop  }
0x6d: {  	v0 =	vimm.s32 $0x0;
	[tilespmem:s11], [sflag:$0x3] =	stream.linear.gather [hbm4b:s2+s4], $0x300, $0x38;
	[tilespmem:$0x10610] =	vst v63  }
0x6e: {  	[tilespmem:$0x10000] =	vst v0  }
0x6f: {  	_ =	swait.ge [sflag:s12], $0x300  }
0x70: {  	v0 =	vld [tilespmem:$0x1FEA0];
	_ =	sdelay $0x5  }
0x71: {  	[sflag:s12] =	ssyncset.done $0x0  }
0x72: {  	[sflag:s12] =	ssyncadd.s32 $0xFFFFFD00  }
0x73: {  	v55 =	vld.idx.msk [tilespmem:v0+s11+$0x0], $0xffff  }
0x74: {  	v0 =	vld [tilespmem:$0x1FEB0];
	_ =	sdelay $0x7  }
0x75: {  	v56 =	vld.idx.msk [tilespmem:v0+s11+$0x0], $0xffff  }
0x76: {  	v0 =	vld [tilespmem:$0x1FEC0];
	_ =	sdelay $0x7  }
0x77: {  	v57 =	vld.idx.msk [tilespmem:v0+s11+$0x0], $0xffff  }
0x78: {  	v0 =	vld [tilespmem:$0x1FED0];
	_ =	sdelay $0x7  }
0x79: {  	v63 =	vld.idx.msk [tilespmem:v0+s11+$0x0], $0xffff  }
0x7a: {  	v0 =	vld [tilespmem:$0x1FEE0];
	_ =	sdelay $0x4  }
0x7b: {  	v5 =	vld [tilespmem:$0x1FF10];
	_ =	sdelay $0x2  }
0x7c: {  	v15 =	vld.idx.msk [tilespmem:v0+s11+$0x0], $0xffff  }
0x7d: {  	v0 =	vld [tilespmem:$0x1FEF0];
	_ =	sdelay $0x3  }
0x7e: {  	v23 =	vld.idx.msk [tilespmem:v5+s11+$0x0], $0xffff  }
0x7f: {  	v5 =	vld [tilespmem:$0x1FF20];
	v58 =	vperm.xlane v55, v1;
	v59 =	vperm.xlane v56, v1  }
0x80: {  	v60 =	vperm.xlane v55, v2  }
0x81: {  	v58 =	vsub.f32 $1.000000000e+00, v58;
	v61 =	vperm.xlane v56, v2;
	v59 =	vsub.f32 $1.000000000e+00, v59  }
0x82: {  	v55 =	vperm.xlane v55, v3;
	v17 =	vld.idx.msk [tilespmem:v0+s11+$0x0], $0xffff  }
0x83: {  	v58 =	vsub.f32 v58, v60;
	v56 =	vperm.xlane v56, v3;
	v59 =	vsub.f32 v59, v61;
	v0 =	vld [tilespmem:$0x1FF00]  }
0x84: {  	v62 =	vperm.xlane v57, v1  }
0x85: {  	v55 =	vadd.f32 v55, v58;
	v56 =	vadd.f32 v56, v59  }
0x86: {  	v16 =	vperm.xlane v57, v2;
	v62 =	vsub.f32 $1.000000000e+00, v62;
	v19 =	vperm.xlane v63, v1  }
0x87: {  	v14 =	vld.idx.msk [tilespmem:v5+s11+$0x0], $0xffff;
	v55 =	vmax.f32 v55, $0.0e+00;
	v57 =	vperm.xlane v57, v3;
	v56 =	vmax.f32 v56, $0.0e+00  }
0x88: {  	v5 =	vld [tilespmem:$0x1FF30];
	v18 =	vsub.f32 v62, v16;
	v21 =	vperm.xlane v63, v2;
	v59 =	vsub.f32 $1.000000000e+00, v19  }
0x89: {  	v55 =	vadd.f32 v56, v55;
	v20 =	vperm.xlane v15, v1  }
0x8a: {  	v57 =	vadd.f32 v57, v18;
	v63 =	vperm.xlane v63, v3;
	v59 =	vsub.f32 v59, v21  }
0x8b: {  	v56 =	vsub.f32 $1.000000000e+00, v20;
	v4 =	vperm.xlane v17, v1;
	v22 =	vld.idx.msk [tilespmem:v0+s11+$0x0], $0xffff;
	v0 =	vperm.xlane v15, v2  }
0x8c: {  	v57 =	vmax.f32 v57, $0.0e+00;
	v13 =	vadd.f32 v63, v59;
	v60 =	vperm.xlane v15, v3  }
0x8d: {  	v12 =	vperm.xlane v17, v2;
	v4 =	vsub.f32 $1.000000000e+00, v4;
	v0 =	vsub.f32 v56, v0  }
0x8e: {  	v55 =	vadd.f32 v57, v55;
	v57 =	vmax.f32 v13, $0.0e+00  }
0x8f: {  	v58 =	vperm.xlane v17, v3;
	v4 =	vsub.f32 v4, v12;
	v0 =	vadd.f32 v60, v0  }
0x90: {  	v16 =	vld.idx.msk [tilespmem:v5+s11+$0x0], $0xffff;
	v18 =	vperm.xlane v23, v1;
	v55 =	vadd.f32 v57, v55;
	v15 =	vperm.xlane v22, v1  }
0x91: {  	v20 =	vperm.xlane v23, v2;
	v4 =	vadd.f32 v58, v4;
	v0 =	vmax.f32 v0, $0.0e+00  }
0x92: {  	v17 =	vperm.xlane v22, v2;
	v59 =	vsub.f32 $1.000000000e+00, v15;
	v0 =	vadd.f32 v0, v55  }
0x93: {  	v60 =	vsub.f32 $1.000000000e+00, v18;
	v4 =	vmax.f32 v4, $0.0e+00;
	v19 =	vperm.xlane v22, v3  }
0x94: {  	v58 =	vsub.f32 v59, v17;
	v0 =	vadd.f32 v4, v0;
	v4 =	vperm.xlane v14, v1  }
0x95: {  	v21 =	vperm.xlane v23, v3;
	v23 =	vperm.xlane v16, v1;
	v59 =	vsub.f32 v60, v20  }
0x96: {  	v22 =	vperm.xlane v14, v2;
	v55 =	vadd.f32 v19, v58;
	v4 =	vsub.f32 $1.000000000e+00, v4  }
0x97: {  	v13 =	vsub.f32 $1.000000000e+00, v23;
	v12 =	vperm.xlane v16, v2;
	v56 =	vperm.xlane v14, v3  }
0x98: {  	v58 =	vadd.f32 v21, v59;
	v55 =	vmax.f32 v55, $0.0e+00;
	v4 =	vsub.f32 v4, v22  }
0x99: {  	v15 =	vperm.xlane v16, v3;
	v0 =	vadd.f32 v55, v0  }
0x9a: {  	v16 =	vsub.f32 v13, v12;
	v14 =	vmax.f32 v58, $0.0e+00;
	v4 =	vadd.f32 v56, v4  }
0x9b: {  	v0 =	vadd.f32 v14, v0  }
0x9c: {  	v17 =	vadd.f32 v15, v16;
	v4 =	vmax.f32 v4, $0.0e+00  }
0x9d: {  	v0 =	vadd.f32 v4, v0  }
0x9e: {  	v4 =	vmax.f32 v17, $0.0e+00  }
0x9f: {  	v0 =	vadd.f32 v4, v0;
	_ =	sdelay $0x1  }
0xa0: {  	[tilespmem:$0x10590] =	vst v0  }
0xa1: {  	[spmem:s7] =	stream.linear.scatter [tilespmem:s13], [sflag:$0x4], $0x10, $0x38;
	[tilespmem:$0x10610] =	vst v63  }
0xa2: {  	_ =	swait.ge [sflag:s14], $0x10  }
0xa3: {  	[sflag:s14] =	ssyncset.done $0x0  }
0xa4: {  	[sflag:s14] =	ssyncadd.s32 $0xFFFFFFF0  }
0xa5: {  	[bflag:$0x0] =	sbarrier.arrive $0xFFFF  }
0xa6: {  	[tilespmem:s15], [sflag:$0x4] =	stream.linear.gather [spmem:s3], $0x100, $0x38;
	[tilespmem:$0x10610] =	vst v63  }
0xa7: {  	_ =	swait.ge [sflag:s14], $0x100  }
0xa8: {  	[sflag:s14] =	ssyncset.done $0x0  }
0xa9: {  	[sflag:s14] =	ssyncadd.s32 $0xFFFFFF00  }
0xaa: {  	_ =	swait.ge [sflag:s16], $0x8000  }
0xab: {  	v5 =	vld [tilespmem:$0x1FF50];
	_ =	sdelay $0x5  }
0xac: {  	[sflag:s16] =	ssyncset.done $0x0  }
0xad: {  	[sflag:s16] =	ssyncadd.s32 $0xFFFF8000  }
0xae: {  	v18 =	vld.idx.msk [tilespmem:v5+s4+$0x0], $0xffff  }
0xaf: {  	v5 =	vld [tilespmem:$0x1FF60];
	_ =	sdelay $0x7  }
0xb0: {  	v19 =	vld.idx.msk [tilespmem:v5+s4+$0x0], $0xffff  }
0xb1: {  	v5 =	vld [tilespmem:$0x1FF70];
	_ =	sdelay $0x7  }
0xb2: {  	v20 =	vld.idx.msk [tilespmem:v5+s4+$0x0], $0xffff  }
0xb3: {  	v5 =	vld [tilespmem:$0x1FF80];
	_ =	sdelay $0x7  }
0xb4: {  	v21 =	vld.idx.msk [tilespmem:v5+s4+$0x0], $0xffff  }
0xb5: {  	v5 =	vld [tilespmem:$0x1FF90];
	_ =	sdelay $0x7  }
0xb6: {  	v22 =	vld.idx.msk [tilespmem:v5+s4+$0x0], $0xffff  }
0xb7: {  	v5 =	vld [tilespmem:$0x1FFA0];
	_ =	sdelay $0x4  }
0xb8: {  	v4 =	vld [tilespmem:$0x1FF40];
	_ =	sdelay $0x1  }
0xb9: {  	v8 =	vld [tilespmem:$0x1FFE0]  }
0xba: {  	v23 =	vld.idx.msk [tilespmem:v5+s4+$0x0], $0xffff  }
0xbb: {  	v5 =	vld [tilespmem:$0x1FFB0];
	_ =	sdelay $0x1  }
0xbc: {  	v0 =	vld.idx.msk [tilespmem:v11+s4+$0x0], $0xffff  }
0xbd: {  	v7 =	vld.idx.msk [tilespmem:v29+s4+$0x0], $0xffff  }
0xbe: {  	v4 =	vld.idx.msk [tilespmem:v4+s4+$0x0], $0xffff  }
0xbf: {  	v62 =	vld.idx.msk [tilespmem:v38+s4+$0x0], $0xffff  }
0xc0: {  	v63 =	vld.idx.msk [tilespmem:v39+s4+$0x0], $0xffff  }
0xc1: {  	v17 =	vld.idx.msk [tilespmem:v8+s4+$0x0], $0xffff  }
0xc2: {  	v12 =	vld.idx.msk [tilespmem:v5+s4+$0x0], $0xffff  }
0xc3: {  	v0 =	vmul.u32 $0x24, v0;
	v4 =	vmul.u32 $0x6, v4;
	v5 =	vld [tilespmem:$0x1FFC0]  }
0xc4: {  	v8 =	vld.idx.msk [tilespmem:v40+s4+$0x0], $0xffff  }
0xc5: {  	v0 =	vadd.s32 v0, v4;
	v4 =	vld.idx.msk [tilespmem:v30+s4+$0x0], $0xffff  }
0xc6: {  	v6 =	vld.idx.msk [tilespmem:v27+s4+$0x0], $0xffff;
	v62 =	vmul.u32 $0x24, v62;
	v63 =	vmul.u32 $0x6, v63  }
0xc7: {  	v61 =	vld.idx.msk [tilespmem:v37+s4+$0x0], $0xffff  }
0xc8: {  	v62 =	vadd.s32 v62, v63;
	v15 =	vmul.u32 $0x24, v22;
	v22 =	vld.idx.msk [tilespmem:v31+s4+$0x0], $0xffff  }
0xc9: {  	v9 =	vld.idx.msk [tilespmem:v41+s4+$0x0], $0xffff;
	v8 =	vadd.s32 v8, v62  }
0xca: {  	v10 =	vld.idx.msk [tilespmem:v42+s4+$0x0], $0xffff;
	v7 =	vmul.u32 $0x24, v7;
	v4 =	vmul.u32 $0x6, v4  }
0xcb: {  	v0 =	vadd.s32 v18, v0;
	v13 =	vld.idx.msk [tilespmem:v5+s4+$0x0], $0xffff  }
0xcc: {  	v4 =	vadd.s32 v7, v4;
	v5 =	vld [tilespmem:$0x1FFD0]  }
0xcd: {  	v4 =	vadd.s32 v22, v4;
	v22 =	vld.idx.msk [tilespmem:v36+s4+$0x0], $0xffff  }
0xce: {  	v8 =	vld.idx.msk [tilespmem:v8+s15+$0x0], $0xffff  }
0xcf: {  	v56 =	vmul.u32 $0x24, v19;
	v19 =	vld.idx.msk [tilespmem:v28+s4+$0x0], $0xffff  }
0xd0: {  	v0 =	vld.idx.msk [tilespmem:v0+s15+$0x0], $0xffff  }
0xd1: {  	v57 =	vmul.u32 $0x6, v20;
	v16 =	vmul.u32 $0x6, v23;
	v23 =	vld.idx.msk [tilespmem:v32+s4+$0x0], $0xffff  }
0xd2: {  	v4 =	vld.idx.msk [tilespmem:v4+s15+$0x0], $0xffff;
	v60 =	vmul.u32 $0x6, v22;
	v22 =	vor.u32 $0x7001, v11  }
0xd3: {  	v56 =	vadd.s32 v56, v57;
	v57 =	vadd.s32 v15, v16;
	v15 =	vld.idx.msk [tilespmem:v46+s4+$0x0], $0xffff  }
0xd4: {  	v57 =	vadd.s32 v12, v57;
	v14 =	vld.idx.msk [tilespmem:v5+s4+$0x0], $0xffff  }
0xd5: {  	v5 =	vld [tilespmem:$0x1FFF0]  }
0xd6: {  	v16 =	vld.idx.msk [tilespmem:v47+s4+$0x0], $0xffff  }
0xd7: {  	v22 =	vld.idx.msk [tilespmem:v22+s4+$0x0], $0xffff  }
0xd8: {  	v12 =	vld.idx.msk [tilespmem:v43+s4+$0x0], $0xffff  }
0xd9: {  	v18 =	vadd.s32 v21, v56;
	v7 =	vld.idx.msk [tilespmem:v57+s15+$0x0], $0xffff;
	v20 =	vmul.u32 $0x24, v13;
	v21 =	vmul.u32 $0x6, v14  }
0xda: {  	v13 =	vld.idx.msk [tilespmem:v44+s4+$0x0], $0xffff  }
0xdb: {  	v58 =	vadd.s32 v20, v21;
	v21 =	vld.idx.msk [tilespmem:v35+s4+$0x0], $0xffff  }
0xdc: {  	v14 =	vld.idx.msk [tilespmem:v45+s4+$0x0], $0xffff;
	v58 =	vadd.s32 v17, v58  }
0xdd: {  	v5 =	vld.idx.msk [tilespmem:v5+s4+$0x0], $0xffff  }
0xde: {  	v20 =	vld.idx.msk [tilespmem:v33+s4+$0x0], $0xffff  }
0xdf: {  	v17 =	vld.idx.msk [tilespmem:v48+s4+$0x0], $0xffff  }
0xe0: {  	v59 =	vmul.u32 $0x24, v21;
	v21 =	vld.idx.msk [tilespmem:v51+s4+$0x0], $0xffff  }
0xe1: {  	v57 =	vld.idx.msk [tilespmem:v58+s15+$0x0], $0xffff  }
0xe2: {  	v6 =	vmul.u32 $0x6, v6;
	v55 =	vmul.u32 $0x24, v23;
	v5 =	vmul.u32 $0x24, v5;
	v58 =	vld.idx.msk [tilespmem:v34+s4+$0x0], $0xffff  }
0xe3: {  	v56 =	vmul.u32 $0x6, v20;
	v20 =	vor.u32 $0x7000, v11;
	v23 =	vadd.s32 v59, v60;
	v59 =	vld.idx.msk [tilespmem:v52+s4+$0x0], $0xffff  }
0xe4: {  	v5 =	vadd.s32 v5, v6;
	v6 =	vld.idx.msk [tilespmem:v18+s15+$0x0], $0xffff  }
0xe5: {  	v24 =	vor.u32 $0x6802, v11;
	v25 =	vor.u32 $0x7002, v11;
	v60 =	vor.u32 $0x7800, v11;
	v18 =	vld.idx.msk [tilespmem:v49+s4+$0x0], $0xffff  }
0xe6: {  	v55 =	vadd.s32 v55, v56;
	v56 =	vadd.s32 v61, v23;
	v61 =	vor.u32 $0x7801, v11;
	v23 =	vld.idx.msk [tilespmem:v54+s4+$0x0], $0xffff  }
0xe7: {  	v9 =	vmul.u32 $0x24, v9;
	v10 =	vmul.u32 $0x6, v10;
	v5 =	vadd.s32 v19, v5;
	v19 =	vld.idx.msk [tilespmem:v50+s4+$0x0], $0xffff  }
0xe8: {  	v26 =	vor.u32 $0x7802, v11;
	v13 =	vmul.u32 $0x24, v13;
	v14 =	vmul.u32 $0x6, v14;
	v20 =	vld.idx.msk [tilespmem:v20+s4+$0x0], $0xffff  }
0xe9: {  	v9 =	vadd.s32 v9, v10;
	v16 =	vmul.u32 $0x24, v16;
	v55 =	vadd.s32 v58, v55;
	v58 =	vld.idx.msk [tilespmem:v53+s4+$0x0], $0xffff  }
0xea: {  	v9 =	vadd.s32 v12, v9;
	v10 =	vadd.s32 v13, v14;
	v17 =	vmul.u32 $0x6, v17;
	v60 =	vld.idx.msk [tilespmem:v60+s4+$0x0], $0xffff  }
0xeb: {  	v10 =	vadd.s32 v15, v10;
	v13 =	vld.idx.msk [tilespmem:v61+s4+$0x0], $0xffff  }
0xec: {  	v62 =	vadd.s32 v16, v17;
	v61 =	vmul.u32 $0x6, v21;
	v63 =	vmul.u32 $0x24, v19;
	v19 =	vld.idx.msk [tilespmem:v24+s4+$0x0], $0xffff  }
0xed: {  	v14 =	vld.idx.msk [tilespmem:v25+s4+$0x0], $0xffff;
	v12 =	vadd.s32 v18, v62  }
0xee: {  	v62 =	vadd.s32 v63, v61;
	v63 =	vmul.u32 $0x24, v58;
	v58 =	vmul.u32 $0x6, v23;
	v61 =	vld.idx.msk [tilespmem:v26+s4+$0x0], $0xffff  }
0xef: {  	v22 =	vmul.u32 $0x6, v22;
	v9 =	vld.idx.msk [tilespmem:v9+s15+$0x0], $0xffff;
	v20 =	vmul.u32 $0x24, v20;
	v15 =	vadd.s32 v59, v62  }
0xf0: {  	v10 =	vld.idx.msk [tilespmem:v10+s15+$0x0], $0xffff;
	v62 =	vmul.u32 $0x24, v60;
	v16 =	vadd.s32 v63, v58;
	v13 =	vmul.u32 $0x6, v13  }
0xf1: {  	v0 =	vadd.f32 $0.0e+00, v0;
	v5 =	vld.idx.msk [tilespmem:v5+s15+$0x0], $0xffff;
	v63 =	vadd.s32 v20, v22;
	v16 =	vadd.s32 v19, v16  }
0xf2: {  	v21 =	vld.idx.msk [tilespmem:v55+s15+$0x0], $0xffff;
	v14 =	vadd.s32 v14, v63;
	v13 =	vadd.s32 v62, v13  }
0xf3: {  	v0 =	vadd.f32 v6, v0;
	v23 =	vld.idx.msk [tilespmem:v56+s15+$0x0], $0xffff;
	v13 =	vadd.s32 v61, v13  }
0xf4: {  	v12 =	vld.idx.msk [tilespmem:v12+s15+$0x0], $0xffff  }
0xf5: {  	v0 =	vadd.f32 v7, v0;
	v15 =	vld.idx.msk [tilespmem:v15+s15+$0x0], $0xffff  }
0xf6: {  	v22 =	vor.u32 $0x8000, v11;
	v16 =	vld.idx.msk [tilespmem:v16+s15+$0x0], $0xffff  }
0xf7: {  	v0 =	vadd.f32 v57, v0;
	v58 =	vor.u32 $0x8001, v11;
	v56 =	vld.idx.msk [tilespmem:v14+s15+$0x0], $0xffff  }
0xf8: {  	v59 =	vor.u32 $0x8002, v11;
	v55 =	vld.idx.msk [tilespmem:v13+s15+$0x0], $0xffff;
	_ =	swait.ge [sflag:s17], $0x8000  }
0xf9: {  	v60 =	vor.u32 $0x8800, v11;
	v0 =	vadd.f32 v5, v0;
	[sflag:s17] =	ssyncset.done $0x0  }
0xfa: {  	v61 =	vor.u32 $0x8801, v11;
	[sflag:s17] =	ssyncadd.s32 $0xFFFF8000  }
0xfb: {  	v62 =	vor.u32 $0x8802, v11;
	v0 =	vadd.f32 v4, v0;
	v6 =	vld.idx.msk [tilespmem:v22+s4+$0x0], $0xffff  }
0xfc: {  	v63 =	vor.u32 $0x9000, v11;
	v13 =	vld.idx.msk [tilespmem:v58+s4+$0x0], $0xffff  }
0xfd: {  	v24 =	vor.u32 $0x9800, v11;
	v0 =	vadd.f32 v21, v0;
	v7 =	vld.idx.msk [tilespmem:v59+s4+$0x0], $0xffff  }
0xfe: {  	v25 =	vor.u32 $0x9801, v11;
	v18 =	vld.idx.msk [tilespmem:v60+s4+$0x0], $0xffff  }
0xff: {  	v26 =	vor.u32 $0xA000, v11;
	v0 =	vadd.f32 v23, v0;
	v19 =	vld.idx.msk [tilespmem:v61+s4+$0x0], $0xffff  }
0x100: {  	v57 =	vor.u32 $0xB001, v11;
	v14 =	vld.idx.msk [tilespmem:v62+s4+$0x0], $0xffff  }
0x101: {  	v0 =	vadd.f32 v8, v0;
	v58 =	vor.u32 $0x9001, v11;
	v5 =	vld.idx.msk [tilespmem:v63+s4+$0x0], $0xffff  }
0x102: {  	v59 =	vor.u32 $0x9002, v11;
	v24 =	vld.idx.msk [tilespmem:v24+s4+$0x0], $0xffff  }
0x103: {  	v60 =	vor.u32 $0x9802, v11;
	v21 =	vld.idx.msk [tilespmem:v25+s4+$0x0], $0xffff;
	v0 =	vadd.f32 v9, v0  }
0x104: {  	v61 =	vor.u32 $0xA001, v11;
	v23 =	vld.idx.msk [tilespmem:v26+s4+$0x0], $0xffff  }
0x105: {  	v62 =	vor.u32 $0xA002, v11;
	v0 =	vadd.f32 v10, v0;
	v10 =	vld.idx.msk [tilespmem:v57+s4+$0x0], $0xffff  }
0x106: {  	v25 =	vor.u32 $0xA800, v11;
	v17 =	vld.idx.msk [tilespmem:v58+s4+$0x0], $0xffff  }
0x107: {  	v26 =	vor.u32 $0xA802, v11;
	v4 =	vld.idx.msk [tilespmem:v59+s4+$0x0], $0xffff  }
0x108: {  	v57 =	vor.u32 $0xC001, v11;
	v20 =	vld.idx.msk [tilespmem:v60+s4+$0x0], $0xffff  }
0x109: {  	v58 =	vor.u32 $0xA801, v11;
	v22 =	vld.idx.msk [tilespmem:v61+s4+$0x0], $0xffff;
	v59 =	vor.u32 $0xB000, v11;
	v6 =	vmul.u32 $0x24, v6  }
0x10a: {  	v8 =	vld.idx.msk [tilespmem:v62+s4+$0x0], $0xffff;
	v13 =	vmul.u32 $0x6, v13;
	v18 =	vmul.u32 $0x24, v18;
	v19 =	vmul.u32 $0x6, v19  }
0x10b: {  	v25 =	vld.idx.msk [tilespmem:v25+s4+$0x0], $0xffff;
	v60 =	vor.u32 $0xB002, v11  }
0x10c: {  	v26 =	vld.idx.msk [tilespmem:v26+s4+$0x0], $0xffff;
	v6 =	vadd.s32 v6, v13;
	v63 =	vadd.s32 v18, v19;
	v19 =	vor.u32 $0xC800, v11  }
0x10d: {  	v57 =	vld.idx.msk [tilespmem:v57+s4+$0x0], $0xffff;
	v6 =	vadd.s32 v7, v6;
	v7 =	vadd.s32 v14, v63;
	v14 =	vor.u32 $0xC801, v11  }
0x10e: {  	v9 =	vld.idx.msk [tilespmem:v58+s4+$0x0], $0xffff  }
0x10f: {  	v0 =	vadd.f32 v12, v0;
	v58 =	vor.u32 $0xB800, v11;
	v59 =	vld.idx.msk [tilespmem:v59+s4+$0x0], $0xffff  }
0x110: {  	v61 =	vor.u32 $0xB801, v11;
	v62 =	vor.u32 $0xC000, v11;
	v18 =	vld.idx.msk [tilespmem:v60+s4+$0x0], $0xffff  }
0x111: {  	v5 =	vmul.u32 $0x24, v5;
	v24 =	vmul.u32 $0x24, v24;
	v0 =	vadd.f32 v15, v0;
	v19 =	vld.idx.msk [tilespmem:v19+s4+$0x0], $0xffff  }
0x112: {  	v21 =	vmul.u32 $0x6, v21;
	v17 =	vmul.u32 $0x6, v17;
	v60 =	vor.u32 $0xB802, v11;
	v14 =	vld.idx.msk [tilespmem:v14+s4+$0x0], $0xffff  }
0x113: {  	v23 =	vmul.u32 $0x24, v23;
	v63 =	vor.u32 $0xC802, v11;
	v0 =	vadd.f32 v16, v0;
	v6 =	vld.idx.msk [tilespmem:v6+s15+$0x0], $0xffff  }
0x114: {  	v10 =	vmul.u32 $0x6, v10;
	v22 =	vmul.u32 $0x6, v22;
	v5 =	vadd.s32 v5, v17;
	v13 =	vld.idx.msk [tilespmem:v58+s4+$0x0], $0xffff  }
0x115: {  	v0 =	vadd.f32 v56, v0;
	v4 =	vadd.s32 v4, v5;
	v5 =	vadd.s32 v24, v21;
	v58 =	vld.idx.msk [tilespmem:v61+s4+$0x0], $0xffff  }
0x116: {  	v17 =	vmul.u32 $0x24, v25;
	v5 =	vadd.s32 v20, v5;
	v61 =	vld.idx.msk [tilespmem:v62+s4+$0x0], $0xffff;
	v9 =	vmul.u32 $0x6, v9  }
0x117: {  	v21 =	vadd.s32 v23, v22;
	v62 =	vor.u32 $0xC002, v11;
	v59 =	vmul.u32 $0x24, v59;
	v22 =	vld.idx.msk [tilespmem:v60+s4+$0x0], $0xffff  }
0x118: {  	v8 =	vadd.s32 v8, v21;
	v60 =	vld.idx.msk [tilespmem:v63+s4+$0x0], $0xffff;
	v9 =	vadd.s32 v17, v9  }
0x119: {  	v0 =	vadd.f32 v55, v0;
	v7 =	vld.idx.msk [tilespmem:v7+s15+$0x0], $0xffff;
	v10 =	vadd.s32 v59, v10;
	v9 =	vadd.s32 v26, v9  }
0x11a: {  	v63 =	vmul.u32 $0x24, v19;
	v10 =	vadd.s32 v18, v10;
	v14 =	vmul.u32 $0x6, v14;
	v4 =	vld.idx.msk [tilespmem:v4+s15+$0x0], $0xffff  }
0x11b: {  	v56 =	vor.u32 $0xE000, v11;
	v55 =	vor.u32 $0xD802, v11;
	v5 =	vld.idx.msk [tilespmem:v5+s15+$0x0], $0xffff  }
0x11c: {  	v0 =	vadd.f32 v6, v0;
	v20 =	vld.idx.msk [tilespmem:v62+s4+$0x0], $0xffff;
	v13 =	vmul.u32 $0x24, v13;
	v14 =	vadd.s32 v63, v14  }
0x11d: {  	v8 =	vld.idx.msk [tilespmem:v8+s15+$0x0], $0xffff;
	v59 =	vmul.u32 $0x6, v58;
	v61 =	vmul.u32 $0x24, v61;
	v14 =	vadd.s32 v60, v14  }
0x11e: {  	v62 =	vmul.u32 $0x6, v57;
	v0 =	vadd.f32 v7, v0;
	v60 =	vor.u32 $0xD001, v11;
	v9 =	vld.idx.msk [tilespmem:v9+s15+$0x0], $0xffff  }
0x11f: {  	v13 =	vadd.s32 v13, v59;
	v59 =	vor.u32 $0xD000, v11;
	v10 =	vld.idx.msk [tilespmem:v10+s15+$0x0], $0xffff  }
0x120: {  	v58 =	vadd.s32 v61, v62;
	v61 =	vor.u32 $0xD002, v11;
	v0 =	vadd.f32 v4, v0;
	v4 =	vld.idx.msk [tilespmem:v56+s4+$0x0], $0xffff  }
0x121: {  	v62 =	vor.u32 $0xD800, v11;
	v57 =	vadd.s32 v22, v13;
	v13 =	vadd.s32 v20, v58;
	v20 =	vld.idx.msk [tilespmem:v55+s4+$0x0], $0xffff  }
0x122: {  	v14 =	vld.idx.msk [tilespmem:v14+s15+$0x0], $0xffff  }
0x123: {  	v63 =	vor.u32 $0xD801, v11;
	v16 =	vld.idx.msk [tilespmem:v60+s4+$0x0], $0xffff  }
0x124: {  	v15 =	vld.idx.msk [tilespmem:v59+s4+$0x0], $0xffff  }
0x125: {  	v58 =	vor.u32 $0xE002, v11;
	v6 =	vld.idx.msk [tilespmem:v61+s4+$0x0], $0xffff  }
0x126: {  	v60 =	vor.u32 $0xE800, v11;
	v18 =	vld.idx.msk [tilespmem:v62+s4+$0x0], $0xffff  }
0x127: {  	v0 =	vadd.f32 v5, v0;
	v12 =	vld.idx.msk [tilespmem:v57+s15+$0x0], $0xffff;
	v57 =	vor.u32 $0xE001, v11  }
0x128: {  	v26 =	vor.u32 $0xF801, v11;
	v59 =	vld.idx.msk [tilespmem:v63+s4+$0x0], $0xffff  }
0x129: {  	v61 =	vor.u32 $0xE801, v11;
	v0 =	vadd.f32 v8, v0;
	v13 =	vld.idx.msk [tilespmem:v13+s15+$0x0], $0xffff  }
0x12a: {  	v63 =	vor.u32 $0xF001, v11;
	v5 =	vld.idx.msk [tilespmem:v58+s4+$0x0], $0xffff  }
0x12b: {  	v24 =	vor.u32 $0xF000, v11;
	v0 =	vadd.f32 v9, v0;
	v19 =	vld.idx.msk [tilespmem:v60+s4+$0x0], $0xffff  }
0x12c: {  	v62 =	vor.u32 $0xE802, v11;
	v16 =	vmul.u32 $0x6, v16;
	v15 =	vmul.u32 $0x24, v15;
	v17 =	vld.idx.msk [tilespmem:v57+s4+$0x0], $0xffff  }
0x12d: {  	v25 =	vor.u32 $0xF800, v11;
	v0 =	vadd.f32 v10, v0;
	v10 =	vld.idx.msk [tilespmem:v26+s4+$0x0], $0xffff  }
0x12e: {  	v56 =	vor.u32 $0xF002, v11;
	v58 =	vor.u32 $0xF802, v11;
	v23 =	vld.idx.msk [tilespmem:v61+s4+$0x0], $0xffff;
	v8 =	vadd.s32 v15, v16  }
0x12f: {  	v7 =	vmul.u32 $0x6, v59;
	v9 =	vld.idx.msk [tilespmem:v63+s4+$0x0], $0xffff;
	v6 =	vadd.s32 v6, v8;
	v8 =	vmul.u32 $0x24, v18  }
0x130: {  	v57 =	vld.idx.msk [tilespmem:v24+s4+$0x0], $0xffff  }
0x131: {  	v4 =	vmul.u32 $0x24, v4;
	v55 =	vld.idx.msk [tilespmem:v62+s4+$0x0], $0xffff;
	v7 =	vadd.s32 v8, v7;
	v8 =	vmul.u32 $0x6, v17  }
0x132: {  	v59 =	vld.idx.msk [tilespmem:v25+s4+$0x0], $0xffff;
	v7 =	vadd.s32 v20, v7  }
0x133: {  	v16 =	vld.idx.msk [tilespmem:v56+s4+$0x0], $0xffff;
	v60 =	vmul.u32 $0x6, v23;
	v4 =	vadd.s32 v4, v8;
	v8 =	vmul.u32 $0x24, v19  }
0x134: {  	v0 =	vadd.f32 v12, v0;
	v62 =	vld.idx.msk [tilespmem:v58+s4+$0x0], $0xffff;
	v4 =	vadd.s32 v5, v4  }
0x135: {  	v9 =	vmul.u32 $0x6, v9;
	v5 =	vld.idx.msk [tilespmem:v6+s15+$0x0], $0xffff;
	v61 =	vadd.s32 v8, v60;
	v8 =	vmul.u32 $0x24, v57  }
0x136: {  	v0 =	vadd.f32 v13, v0;
	v6 =	vadd.s32 v55, v61  }
0x137: {  	v10 =	vmul.u32 $0x6, v10;
	v7 =	vld.idx.msk [tilespmem:v7+s15+$0x0], $0xffff;
	v8 =	vadd.s32 v8, v9;
	v9 =	vmul.u32 $0x24, v59  }
0x138: {  	v0 =	vadd.f32 v14, v0;
	v8 =	vadd.s32 v16, v8  }
0x139: {  	v9 =	vadd.s32 v9, v10;
	v4 =	vld.idx.msk [tilespmem:v4+s15+$0x0], $0xffff  }
0x13a: {  	v0 =	vadd.f32 v5, v0;
	v5 =	vadd.s32 v62, v9  }
0x13b: {  	v6 =	vld.idx.msk [tilespmem:v6+s15+$0x0], $0xffff  }
0x13c: {  	v0 =	vadd.f32 v7, v0  }
0x13d: {  	v63 =	vld.idx.msk [tilespmem:v8+s15+$0x0], $0xffff  }
0x13e: {  	v0 =	vadd.f32 v4, v0  }
0x13f: {  	v4 =	vld.idx.msk [tilespmem:v5+s15+$0x0], $0xffff  }
0x140: {  	v0 =	vadd.f32 v6, v0;
	_ =	sdelay $0x1  }
0x141: {  	v0 =	vadd.f32 v63, v0;
	_ =	sdelay $0x1  }
0x142: {  	v0 =	vadd.f32 v4, v0  }
0x143: {  	p0 =	sne.s32 s9, $0x1  }
.Ltmp0:
0x144: {  	[tilespmem:$0x10590] =	vst v0;
	(pc) =	sbr.rel @p0 .LBB2_1-.Ltmp0, $4  }
0x145: {  	[hbm4b:s8+s4] =	stream.linear.scatter [tilespmem:s13], [sflag:$0x4], $0x10, $0x38;
	[tilespmem:$0x10610] =	vst v63  }
0x146: {  	_ =	swait.ge [sflag:s14], $0x10  }
0x147: {  	[sflag:s14] =	ssyncset.done $0x0  }
0x148: {  	s9 =	sadd.s32 $0xFFFFFFFF, s9;
	[sflag:s14] =	ssyncadd.s32 $0xFFFFFFF0  }
0x149: {  	_ =	sfence.sel $0x180000  }
0x14a: {  	[bflag:$0x0] =	sbarrier.arrive $0xFFFF  }
0x14b: {  	p0 =	sne.s32 s0, $0x0;
	_ =	strace $0x90000047  }
0x14c: {  	s0 =	sadd.s32 @!p0 $0x100000, s1;
	[bflag:$0x2] =	sbarrier.arrive $0xFFFF  }
0x14d: {  	[sflag:s0] =	ssyncadd.tile.s32 @!p0 $0x1;
	_ =	shalt  }
.Lfunc_end2:
_tile_overlayer_lowered:
.L_overlay_start_2:
0x14e: {  	(tag) =	ssettag $0x2  }
0x14f: {  	s0 =	rddreg [dreg:$0x0];
	s2 =	stileid.u32  }
0x150: {  	s1 =	rddreg [dreg:$0x1];
	p0 =	sne.s32 s2, $0x0  }
0x151: {  	s3 =	rddreg [dreg:$0x2];
	[bflag:$0x3] =	sbarrier.arrive $0xFFFF;
	s2 =	simm.s32 @!p0 $0x1C04  }
0x152: {  	[timem:s3], [sflag:s2] =	dma.local @!p0 [hbm:s0], s1  }
0x153: {  	s0 =	simm.s32 @!p0 $0x4  }
0x154: {  	_ =	swait.ge @!p0 [sflag:s0], s1  }
0x155: {  	s1 =	ssub.s32 @!p0 $0x0, s1;
	[sflag:s0] =	ssyncset.done @!p0 $0x0  }
0x156: {  	[sflag:s0] =	ssyncadd.s32 @!p0 s1  }
0x157: {  	[bflag:$0x3] =	sbarrier.arrive $0xFFFF  }
0x158: {  	_ =	shalt  }

</sc_bundles>
